<compile_context>
chip_gen: v7x
topology: tpu7x:2x2x1
jax: 0.10.2.dev20260603
libtpu: 0.0.44.dev20260713+nightly
codegen_flags: <defaults>
</compile_context>

<pallas_src>
import functools

import jax
import jax.numpy as jnp
from jax import lax
from jax.experimental import pallas as pl
from jax.experimental.pallas import tpu as pltpu
from jax.experimental.pallas import tpu_sc as plsc

N_NODES = 10000
N_EDGES = 320000
HID = 128
NRBF = 16

NC, NS, LANES = 2, 16, 16
NW = NC * NS
EPG = 128
NSBUF = 2
NGP = 2560
EPAD = NGP * EPG
SITERS = NGP // (NW * NSBUF)
NPAD = 10240
RPW = NPAD // NS
TRASH = N_NODES

_mesh = plsc.VectorSubcoreMesh(core_axis_name="c", subcore_axis_name="s")


@functools.partial(
    pl.kernel,
    out_type=jax.ShapeDtypeStruct((EPAD, HID), jnp.float32),
    mesh=_mesh,
    scratch_types=[
        [pltpu.VMEM((EPG,), jnp.int32) for _ in range(NSBUF)],
        [pltpu.VMEM((EPG, HID), jnp.float32) for _ in range(NSBUF)],
        pltpu.SemaphoreType.DMA,
        pltpu.SemaphoreType.DMA,
        pltpu.SemaphoreType.DMA,
    ],
)
def _sc_gather(g_hbm, j_hbm, gj_out, idxj, rows, semj, semg, sems):
    cid = lax.axis_index("c")
    sid = lax.axis_index("s")
    wid = sid * NC + cid

    def step(it, carry):
        bs = [((it * NSBUF + p) * NW + wid) * EPG for p in range(NSBUF)]
        dj = []
        for p in range(NSBUF):
            dj.append(pltpu.async_copy(j_hbm.at[pl.ds(bs[p], EPG)], idxj[p], semj))
        for p in range(NSBUF):
            dj[p].wait()

            @pl.when(bs[p] < N_EDGES)
            def _(p=p):
                pltpu.async_copy(g_hbm.at[idxj[p]], rows[p], semg).wait()
                pltpu.async_copy(rows[p], gj_out.at[pl.ds(bs[p], EPG)], sems)

        for p in range(NSBUF):

            @pl.when(bs[p] < N_EDGES)
            def _(p=p):
                pltpu.make_async_copy(
                    rows[p], gj_out.at[pl.ds(bs[p], EPG)], sems).wait()

        return carry

    lax.fori_loop(0, SITERS, step, 0)


@functools.partial(
    pl.kernel,
    out_type=jax.ShapeDtypeStruct((NC, NPAD, HID), jnp.float32),
    mesh=_mesh,
    scratch_types=[
        [pltpu.VMEM((EPG,), jnp.int32) for _ in range(NSBUF)],
        pltpu.VMEM((EPG, HID), jnp.float32),
        pltpu.VMEM_SHARED((NPAD, HID), jnp.float32),
        pltpu.SemaphoreType.DMA,
    ],
)
def _sc_deg(i_hbm, z_hbm, ones_hbm, deg_out, idxi, ones_v, deg_sh, semi):
    cid = lax.axis_index("c")
    sid = lax.axis_index("s")
    wid = sid * NC + cid
    r0 = sid * RPW
    pltpu.sync_copy(z_hbm, deg_sh.at[pl.ds(r0, RPW)])
    pltpu.sync_copy(ones_hbm, ones_v)
    plsc.subcore_barrier()

    def step(it, carry):
        bs = [((it * NSBUF + p) * NW + wid) * EPG for p in range(NSBUF)]
        di = []
        for p in range(NSBUF):
            di.append(pltpu.async_copy(i_hbm.at[pl.ds(bs[p], EPG)], idxi[p], semi))
        for p in range(NSBUF):
            di[p].wait()

            @pl.when(bs[p] < N_EDGES)
            def _(p=p):
                pltpu.sync_copy(ones_v, deg_sh.at[idxi[p]], add=True)

        return carry

    lax.fori_loop(0, SITERS, step, 0)
    plsc.subcore_barrier()
    pltpu.sync_copy(deg_sh.at[pl.ds(r0, RPW)], deg_out.at[cid, pl.ds(r0, RPW)])


@functools.partial(
    pl.kernel,
    out_type=jax.ShapeDtypeStruct((NC, NPAD, HID), jnp.float32),
    mesh=_mesh,
    scratch_types=[
        [pltpu.VMEM((EPG,), jnp.int32) for _ in range(NSBUF)],
        [pltpu.VMEM((EPG, HID), jnp.float32) for _ in range(NSBUF)],
        pltpu.VMEM_SHARED((NPAD, HID), jnp.float32),
        pltpu.SemaphoreType.DMA,
        pltpu.SemaphoreType.DMA,
    ],
)
def _sc_scatter(i_hbm, a_hbm, z_hbm, A_out, idxi, rows, A_sh, semi, sema):
    cid = lax.axis_index("c")
    sid = lax.axis_index("s")
    wid = sid * NC + cid
    r0 = sid * RPW
    pltpu.sync_copy(z_hbm, A_sh.at[pl.ds(r0, RPW)])
    plsc.subcore_barrier()

    def step(it, carry):
        bs = [((it * NSBUF + p) * NW + wid) * EPG for p in range(NSBUF)]
        di, da = [], []
        for p in range(NSBUF):
            di.append(pltpu.async_copy(i_hbm.at[pl.ds(bs[p], EPG)], idxi[p], semi))
            da.append(pltpu.async_copy(a_hbm.at[pl.ds(bs[p], EPG)], rows[p], sema))
        for p in range(NSBUF):
            di[p].wait()
            da[p].wait()

            @pl.when(bs[p] < N_EDGES)
            def _(p=p):
                pltpu.sync_copy(rows[p], A_sh.at[idxi[p]], add=True)

        return carry

    lax.fori_loop(0, SITERS, step, 0)
    plsc.subcore_barrier()
    pltpu.sync_copy(A_sh.at[pl.ds(r0, RPW)], A_out.at[cid, pl.ds(r0, RPW)])


def _g_body(h_ref, w_ref, o_ref):
    o_ref[...] = h_ref[...] @ w_ref[...]


def _edge_body(gj_ref, rbf_ref, w_ref, b_ref, o_ref):
    pre = gj_ref[...] + rbf_ref[...] @ w_ref[...] + b_ref[...]
    o_ref[...] = pre * (1.0 / (1.0 + jnp.exp(-pre)))


def _out_body(h_ref, A_ref, deg_ref, w2_ref, b2_ref, o_ref):
    A = A_ref[0] + A_ref[1]
    deg = deg_ref[0, :, 0:1] + deg_ref[1, :, 0:1]
    o_ref[...] = h_ref[...] + A @ w2_ref[...] + deg * b2_ref[...]


def _tc_g(h, w):
    B = 2000
    return pl.pallas_call(
        _g_body,
        grid=(N_NODES // B,),
        in_specs=[
            pl.BlockSpec((B, HID), lambda n: (n, 0)),
            pl.BlockSpec((HID, HID), lambda n: (0, 0)),
        ],
        out_specs=pl.BlockSpec((B, HID), lambda n: (n, 0)),
        out_shape=jax.ShapeDtypeStruct((N_NODES, HID), jnp.float32),
    )(h, w)


def _tc_edge(gj, rbf, w, b):
    B = 2048
    return pl.pallas_call(
        _edge_body,
        grid=(EPAD // B,),
        in_specs=[
            pl.BlockSpec((B, HID), lambda n: (n, 0)),
            pl.BlockSpec((B, NRBF), lambda n: (n, 0)),
            pl.BlockSpec((NRBF, HID), lambda n: (0, 0)),
            pl.BlockSpec((1, HID), lambda n: (0, 0)),
        ],
        out_specs=pl.BlockSpec((B, HID), lambda n: (n, 0)),
        out_shape=jax.ShapeDtypeStruct((EPAD, HID), jnp.float32),
    )(gj, rbf, w, b)


def _tc_out(h, A, deg, w2, b2):
    B = 2000
    return pl.pallas_call(
        _out_body,
        grid=(N_NODES // B,),
        in_specs=[
            pl.BlockSpec((B, HID), lambda n: (n, 0)),
            pl.BlockSpec((NC, B, HID), lambda n: (0, n, 0)),
            pl.BlockSpec((NC, B, HID), lambda n: (0, n, 0)),
            pl.BlockSpec((HID, HID), lambda n: (0, 0)),
            pl.BlockSpec((1, HID), lambda n: (0, 0)),
        ],
        out_specs=pl.BlockSpec((B, HID), lambda n: (n, 0)),
        out_shape=jax.ShapeDtypeStruct((N_NODES, HID), jnp.float32),
    )(h, A, deg, w2, b2)


def kernel(h, i, j, rbf, W1, b1, W2, b2):
    npad = EPAD - N_EDGES
    i_pad = jnp.concatenate([i.astype(jnp.int32), jnp.full((npad,), TRASH, jnp.int32)])
    j_pad = jnp.concatenate([j.astype(jnp.int32), jnp.zeros((npad,), jnp.int32)])
    rbf_pad = jnp.concatenate([rbf, jnp.zeros((npad, NRBF), rbf.dtype)])
    zA = jnp.zeros((RPW, HID), jnp.float32)
    ones = jnp.ones((EPG, HID), jnp.float32)

    g = _tc_g(h, W1[:HID])
    gj = _sc_gather(g, j_pad)
    deg = _sc_deg(i_pad, zA, ones)
    a = _tc_edge(gj, rbf_pad, W1[HID:], b1.reshape(1, HID))
    A = _sc_scatter(i_pad, a, zA)
    return _tc_out(h, A, deg, W2, b2.reshape(1, HID))

# --- scband reference (transcript-rebuilt; emitter-appended) ---
"""Pipeline reference for scband-message-layer-85229331021883 (READ-ONLY COPY).

The authoritative reference and input builder live on the scoring server;
editing this copy changes nothing except your own understanding.
"""

import jax, jax.numpy as jnp
import numpy as np

HIDDEN = 128
N_RBF = 16
N_NODES = 10000
N_EDGES = 320000


def setup_inputs(seed: int = 0) -> dict:
    key = jax.random.key(seed)
    k = jax.random.split(key, 10)
    h = jax.random.normal(k[0], (N_NODES, HIDDEN), dtype=jnp.float32)
    i = jax.random.randint(k[1], (N_EDGES,), 0, N_NODES, dtype=jnp.int64 if jax.config.jax_enable_x64 else jnp.int32)
    j = jax.random.randint(k[2], (N_EDGES,), 0, N_NODES, dtype=jnp.int64 if jax.config.jax_enable_x64 else jnp.int32)
    rbf = jax.random.normal(k[3], (N_EDGES, N_RBF), dtype=jnp.float32)
    # MLP params: Linear(hidden+n_rbf -> hidden), SiLU, Linear(hidden -> hidden)
    fan_in1 = HIDDEN + N_RBF
    W1 = jax.random.uniform(k[4], (fan_in1, HIDDEN), dtype=jnp.float32, minval=-1.0, maxval=1.0) / np.sqrt(fan_in1)
    b1 = jax.random.uniform(k[5], (HIDDEN,), dtype=jnp.float32, minval=-1.0, maxval=1.0) / np.sqrt(fan_in1)
    W2 = jax.random.uniform(k[6], (HIDDEN, HIDDEN), dtype=jnp.float32, minval=-1.0, maxval=1.0) / np.sqrt(HIDDEN)
    b2 = jax.random.uniform(k[7], (HIDDEN,), dtype=jnp.float32, minval=-1.0, maxval=1.0) / np.sqrt(HIDDEN)
    return {"h": h, "i": i, "j": j, "rbf": rbf, "W1": W1, "b1": b1, "W2": W2, "b2": b2}


def reference(h, i, j, rbf, W1, b1, W2, b2):
    # m = cat([h[j], rbf], -1)
    m = jnp.concatenate([jnp.take(h, j, axis=0), rbf], axis=-1)
    # mlp: Linear -> SiLU -> Linear
    m = m @ W1 + b1
    m = jax.nn.silu(m)
    m = m @ W2 + b2
    # out = zeros_like(h); out.index_add_(0, i, m)
    out = jnp.zeros_like(h).at[i].add(m)
    return h + out

if __name__ == "__main__":
    import jax
    _d = setup_inputs()
    print(jax.jit(kernel)(*tuple(_d.values())))

</pallas_src>

<mosaic_0001>
#map = affine_map<(d0, d1) -> (0, 0)>
#map1 = affine_map<(d0, d1) -> (0)>
module attributes {stable_mosaic.version = 14 : i64} {
  func.func @_sc_gather(%arg0: i32, %arg1: i32, %arg2: memref<10000x128xf32, #tpu.memory_space<hbm>>, %arg3: memref<327680xi32, #tpu.memory_space<hbm>>, %arg4: memref<327680x128xf32, #tpu.memory_space<hbm>>, %arg5: memref<128xi32, #tpu.memory_space<vmem>>, %arg6: memref<128xi32, #tpu.memory_space<vmem>>, %arg7: memref<128x128xf32, #tpu.memory_space<vmem>>, %arg8: memref<128x128xf32, #tpu.memory_space<vmem>>, %arg9: memref<!tpu.dma_semaphore, #tpu.memory_space<semaphore_mem>>, %arg10: memref<!tpu.dma_semaphore, #tpu.memory_space<semaphore_mem>>, %arg11: memref<!tpu.dma_semaphore, #tpu.memory_space<semaphore_mem>>) attributes {dimension_semantics = [#tpu.dimension_semantics<core_parallel>, #tpu.dimension_semantics<subcore_parallel>], iteration_bounds = array<i64: 2, 16>, scalar_prefetch = 0 : i64, scratch_operands = 7 : i64, tpu.core_type = #tpu.core_type<sc_vector_subcore>, window_params = [{transform_indices = #map}, {transform_indices = #map1}, {transform_indices = #map}]} {
    %mul3A = arith.constant 2 : i32
    %mul3A_0 = arith.muli %arg1, %mul3A : i32
    %add3A = arith.addi %mul3A_0, %arg0 : i32
    %scan3A = arith.constant 0 : i32
    %scan3A_1 = arith.constant 0 : i32
    %scan3A_2 = arith.constant 40 : i32
    %scan3A_3 = arith.addi %scan3A_1, %scan3A_2 : i32
    %scan3A_4 = arith.constant 1 : i32
    scf.for %scan3A_6 = %scan3A_1 to %scan3A_3 step %scan3A_4  : i32 {
      %mul3A_7 = arith.constant 2 : i32
      %mul3A_8 = arith.muli %scan3A_6, %mul3A_7 : i32
      %add3A_9 = arith.constant 0 : i32
      %add3A_10 = arith.addi %mul3A_8, %add3A_9 : i32
      %mul3A_11 = arith.constant 32 : i32
      %mul3A_12 = arith.muli %add3A_10, %mul3A_11 : i32
      %add3A_13 = arith.addi %mul3A_12, %add3A : i32
      %mul3A_14 = arith.constant 128 : i32
      %mul3A_15 = arith.muli %add3A_13, %mul3A_14 : i32
      %mul3A_16 = arith.constant 2 : i32
      %mul3A_17 = arith.muli %scan3A_6, %mul3A_16 : i32
      %add3A_18 = arith.constant 1 : i32
      %add3A_19 = arith.addi %mul3A_17, %add3A_18 : i32
      %mul3A_20 = arith.constant 32 : i32
      %mul3A_21 = arith.muli %add3A_19, %mul3A_20 : i32
      %add3A_22 = arith.addi %mul3A_21, %add3A : i32
      %mul3A_23 = arith.constant 128 : i32
      %mul3A_24 = arith.muli %add3A_22, %mul3A_23 : i32
      %dma_start3A = tpu.memref_slice %arg3[%mul3A_15] : memref<327680xi32, #tpu.memory_space<hbm>> -> memref<128xi32, #tpu.memory_space<hbm>>
      %dma_start3A_25 = tpu.memref_slice %arg3[%mul3A_15] : memref<327680xi32, #tpu.memory_space<hbm>> -> memref<128xi32, #tpu.memory_space<hbm>>
      tpu.enqueue_dma source(%dma_start3A_25 : memref<128xi32, #tpu.memory_space<hbm>>) target(%arg5 : memref<128xi32, #tpu.memory_space<vmem>>) target_semaphore(%arg9 : memref<!tpu.dma_semaphore, #tpu.memory_space<semaphore_mem>>)
      %dma_start3A_26 = tpu.memref_slice %arg3[%mul3A_24] : memref<327680xi32, #tpu.memory_space<hbm>> -> memref<128xi32, #tpu.memory_space<hbm>>
      %dma_start3A_27 = tpu.memref_slice %arg3[%mul3A_24] : memref<327680xi32, #tpu.memory_space<hbm>> -> memref<128xi32, #tpu.memory_space<hbm>>
      tpu.enqueue_dma source(%dma_start3A_27 : memref<128xi32, #tpu.memory_space<hbm>>) target(%arg6 : memref<128xi32, #tpu.memory_space<vmem>>) target_semaphore(%arg9 : memref<!tpu.dma_semaphore, #tpu.memory_space<semaphore_mem>>)
      %dma_wait3A = tpu.memref_slice %arg3[%mul3A_15] : memref<327680xi32, #tpu.memory_space<hbm>> -> memref<128xi32, #tpu.memory_space<hbm>>
      %dma_wait3A_28 = tpu.memref_slice %arg3[%mul3A_15] : memref<327680xi32, #tpu.memory_space<hbm>> -> memref<128xi32, #tpu.memory_space<hbm>>
      tpu.wait_dma2 semaphore(%arg9 : memref<!tpu.dma_semaphore, #tpu.memory_space<semaphore_mem>>) src(%dma_wait3A_28 : memref<128xi32, #tpu.memory_space<hbm>>) dst(%arg5 : memref<128xi32, #tpu.memory_space<vmem>>)
      %lt3A = arith.constant 320000 : i32
      %lt3A_29 = arith.cmpi slt, %mul3A_15, %lt3A : i32
      %convert_element_type3A = arith.extui %lt3A_29 : i1 to i32
      %cond3A = arith.constant 0 : i32
      %cond3A_30 = arith.cmpi ne, %convert_element_type3A, %cond3A : i32
      scf.if %cond3A_30 {
        %dma_start3A_48 = arith.constant 0 : i32
        %dma_start3A_49 = arith.constant 0 : i32
        %dma_start3A_50 = tpu.memref_slice %arg2[%dma_start3A_48, %dma_start3A_49] : memref<10000x128xf32, #tpu.memory_space<hbm>> -> memref<10000x128xf32, #tpu.memory_space<hbm>>
        tpu.enqueue_indirect_dma source(%dma_start3A_50 : memref<10000x128xf32, #tpu.memory_space<hbm>>) target(%arg7 : memref<128x128xf32, #tpu.memory_space<vmem>>) offsets(%arg5 : memref<128xi32, #tpu.memory_space<vmem>>) semaphore(%arg10 : memref<!tpu.dma_semaphore, #tpu.memory_space<semaphore_mem>>)
        %dma_wait3A_51 = arith.constant 0 : i32
        %dma_wait3A_52 = arith.constant 0 : i32
        %dma_wait3A_53 = tpu.memref_slice %arg2[%dma_wait3A_51, %dma_wait3A_52] : memref<10000x128xf32, #tpu.memory_space<hbm>> -> memref<10000x128xf32, #tpu.memory_space<hbm>>
        tpu.wait_indirect_dma semaphore(%arg10 : memref<!tpu.dma_semaphore, #tpu.memory_space<semaphore_mem>>) src(%dma_wait3A_53 : memref<10000x128xf32, #tpu.memory_space<hbm>>) dst(%arg7 : memref<128x128xf32, #tpu.memory_space<vmem>>)
        %dma_start3A_54 = arith.constant 0 : i32
        %dma_start3A_55 = tpu.memref_slice %arg4[%mul3A_15, %dma_start3A_54] : memref<327680x128xf32, #tpu.memory_space<hbm>> -> memref<128x128xf32, #tpu.memory_space<hbm>>
        %dma_start3A_56 = arith.constant 0 : i32
        %dma_start3A_57 = tpu.memref_slice %arg4[%mul3A_15, %dma_start3A_56] : memref<327680x128xf32, #tpu.memory_space<hbm>> -> memref<128x128xf32, #tpu.memory_space<hbm>>
        tpu.enqueue_dma source(%arg7 : memref<128x128xf32, #tpu.memory_space<vmem>>) target(%dma_start3A_57 : memref<128x128xf32, #tpu.memory_space<hbm>>) target_semaphore(%arg11 : memref<!tpu.dma_semaphore, #tpu.memory_space<semaphore_mem>>)
      } else {
      }
      %dma_wait3A_31 = tpu.memref_slice %arg3[%mul3A_24] : memref<327680xi32, #tpu.memory_space<hbm>> -> memref<128xi32, #tpu.memory_space<hbm>>
      %dma_wait3A_32 = tpu.memref_slice %arg3[%mul3A_24] : memref<327680xi32, #tpu.memory_space<hbm>> -> memref<128xi32, #tpu.memory_space<hbm>>
      tpu.wait_dma2 semaphore(%arg9 : memref<!tpu.dma_semaphore, #tpu.memory_space<semaphore_mem>>) src(%dma_wait3A_32 : memref<128xi32, #tpu.memory_space<hbm>>) dst(%arg6 : memref<128xi32, #tpu.memory_space<vmem>>)
      %lt3A_33 = arith.constant 320000 : i32
      %lt3A_34 = arith.cmpi slt, %mul3A_24, %lt3A_33 : i32
      %convert_element_type3A_35 = arith.extui %lt3A_34 : i1 to i32
      %cond3A_36 = arith.constant 0 : i32
      %cond3A_37 = arith.cmpi ne, %convert_element_type3A_35, %cond3A_36 : i32
      scf.if %cond3A_37 {
        %dma_start3A_48 = arith.constant 0 : i32
        %dma_start3A_49 = arith.constant 0 : i32
        %dma_start3A_50 = tpu.memref_slice %arg2[%dma_start3A_48, %dma_start3A_49] : memref<10000x128xf32, #tpu.memory_space<hbm>> -> memref<10000x128xf32, #tpu.memory_space<hbm>>
        tpu.enqueue_indirect_dma source(%dma_start3A_50 : memref<10000x128xf32, #tpu.memory_space<hbm>>) target(%arg8 : memref<128x128xf32, #tpu.memory_space<vmem>>) offsets(%arg6 : memref<128xi32, #tpu.memory_space<vmem>>) semaphore(%arg10 : memref<!tpu.dma_semaphore, #tpu.memory_space<semaphore_mem>>)
        %dma_wait3A_51 = arith.constant 0 : i32
        %dma_wait3A_52 = arith.constant 0 : i32
        %dma_wait3A_53 = tpu.memref_slice %arg2[%dma_wait3A_51, %dma_wait3A_52] : memref<10000x128xf32, #tpu.memory_space<hbm>> -> memref<10000x128xf32, #tpu.memory_space<hbm>>
        tpu.wait_indirect_dma semaphore(%arg10 : memref<!tpu.dma_semaphore, #tpu.memory_space<semaphore_mem>>) src(%dma_wait3A_53 : memref<10000x128xf32, #tpu.memory_space<hbm>>) dst(%arg8 : memref<128x128xf32, #tpu.memory_space<vmem>>)
        %dma_start3A_54 = arith.constant 0 : i32
        %dma_start3A_55 = tpu.memref_slice %arg4[%mul3A_24, %dma_start3A_54] : memref<327680x128xf32, #tpu.memory_space<hbm>> -> memref<128x128xf32, #tpu.memory_space<hbm>>
        %dma_start3A_56 = arith.constant 0 : i32
        %dma_start3A_57 = tpu.memref_slice %arg4[%mul3A_24, %dma_start3A_56] : memref<327680x128xf32, #tpu.memory_space<hbm>> -> memref<128x128xf32, #tpu.memory_space<hbm>>
        tpu.enqueue_dma source(%arg8 : memref<128x128xf32, #tpu.memory_space<vmem>>) target(%dma_start3A_57 : memref<128x128xf32, #tpu.memory_space<hbm>>) target_semaphore(%arg11 : memref<!tpu.dma_semaphore, #tpu.memory_space<semaphore_mem>>)
      } else {
      }
      %lt3A_38 = arith.constant 320000 : i32
      %lt3A_39 = arith.cmpi slt, %mul3A_15, %lt3A_38 : i32
      %convert_element_type3A_40 = arith.extui %lt3A_39 : i1 to i32
      %cond3A_41 = arith.constant 0 : i32
      %cond3A_42 = arith.cmpi ne, %convert_element_type3A_40, %cond3A_41 : i32
      scf.if %cond3A_42 {
        %dma_wait3A_48 = arith.constant 0 : i32
        %dma_wait3A_49 = tpu.memref_slice %arg4[%mul3A_15, %dma_wait3A_48] : memref<327680x128xf32, #tpu.memory_space<hbm>> -> memref<128x128xf32, #tpu.memory_space<hbm>>
        %dma_wait3A_50 = arith.constant 0 : i32
        %dma_wait3A_51 = tpu.memref_slice %arg4[%mul3A_15, %dma_wait3A_50] : memref<327680x128xf32, #tpu.memory_space<hbm>> -> memref<128x128xf32, #tpu.memory_space<hbm>>
        tpu.wait_dma2 semaphore(%arg11 : memref<!tpu.dma_semaphore, #tpu.memory_space<semaphore_mem>>) src(%arg7 : memref<128x128xf32, #tpu.memory_space<vmem>>) dst(%dma_wait3A_51 : memref<128x128xf32, #tpu.memory_space<hbm>>)
      } else {
      }
      %lt3A_43 = arith.constant 320000 : i32
      %lt3A_44 = arith.cmpi slt, %mul3A_24, %lt3A_43 : i32
      %convert_element_type3A_45 = arith.extui %lt3A_44 : i1 to i32
      %cond3A_46 = arith.constant 0 : i32
      %cond3A_47 = arith.cmpi ne, %convert_element_type3A_45, %cond3A_46 : i32
      scf.if %cond3A_47 {
        %dma_wait3A_48 = arith.constant 0 : i32
        %dma_wait3A_49 = tpu.memref_slice %arg4[%mul3A_24, %dma_wait3A_48] : memref<327680x128xf32, #tpu.memory_space<hbm>> -> memref<128x128xf32, #tpu.memory_space<hbm>>
        %dma_wait3A_50 = arith.constant 0 : i32
        %dma_wait3A_51 = tpu.memref_slice %arg4[%mul3A_24, %dma_wait3A_50] : memref<327680x128xf32, #tpu.memory_space<hbm>> -> memref<128x128xf32, #tpu.memory_space<hbm>>
        tpu.wait_dma2 semaphore(%arg11 : memref<!tpu.dma_semaphore, #tpu.memory_space<semaphore_mem>>) src(%arg8 : memref<128x128xf32, #tpu.memory_space<vmem>>) dst(%dma_wait3A_51 : memref<128x128xf32, #tpu.memory_space<hbm>>)
      } else {
      }
    }
    %scan3A_5 = arith.constant 40 : i32
    return
  }
}

#map = affine_map<(d0, d1) -> (0)>
#map1 = affine_map<(d0, d1) -> (0, 0)>
#map2 = affine_map<(d0, d1) -> (0, 0, 0)>
module attributes {stable_mosaic.version = 14 : i64} {
  func.func @_sc_deg(%arg0: i32, %arg1: i32, %arg2: memref<327680xi32, #tpu.memory_space<hbm>>, %arg3: memref<640x128xf32, #tpu.memory_space<hbm>>, %arg4: memref<128x128xf32, #tpu.memory_space<hbm>>, %arg5: memref<2x10240x128xf32, #tpu.memory_space<hbm>>, %arg6: memref<128xi32, #tpu.memory_space<vmem>>, %arg7: memref<128xi32, #tpu.memory_space<vmem>>, %arg8: memref<128x128xf32, #tpu.memory_space<vmem>>, %arg9: memref<10240x128xf32, #tpu.memory_space<vmem_shared>>, %arg10: memref<!tpu.dma_semaphore, #tpu.memory_space<semaphore_mem>>) attributes {dimension_semantics = [#tpu.dimension_semantics<core_parallel>, #tpu.dimension_semantics<subcore_parallel>], iteration_bounds = array<i64: 2, 16>, scalar_prefetch = 0 : i64, scratch_operands = 5 : i64, tpu.core_type = #tpu.core_type<sc_vector_subcore>, window_params = [{transform_indices = #map}, {transform_indices = #map1}, {transform_indices = #map1}, {transform_indices = #map2}]} {
    %mul3A = arith.constant 2 : i32
    %mul3A_0 = arith.muli %arg1, %mul3A : i32
    %add3A = arith.addi %mul3A_0, %arg0 : i32
    %mul3A_1 = arith.constant 640 : i32
    %mul3A_2 = arith.muli %arg1, %mul3A_1 : i32
    "tpu.region"() ({
      %run_scoped3A = tpu.sem_alloc : memref<!tpu.dma_semaphore, #tpu.memory_space<semaphore_mem>>
      %dma_start3A = arith.constant 0 : i32
      %dma_start3A_9 = tpu.memref_slice %arg9[%mul3A_2, %dma_start3A] : memref<10240x128xf32, #tpu.memory_space<vmem_shared>> -> memref<640x128xf32, #tpu.memory_space<vmem_shared>>
      tpu.enqueue_dma source(%arg3 : memref<640x128xf32, #tpu.memory_space<hbm>>) target(%dma_start3A_9 : memref<640x128xf32, #tpu.memory_space<vmem_shared>>) target_semaphore(%run_scoped3A : memref<!tpu.dma_semaphore, #tpu.memory_space<semaphore_mem>>)
      %dma_wait3A = arith.constant 0 : i32
      %dma_wait3A_10 = tpu.memref_slice %arg9[%mul3A_2, %dma_wait3A] : memref<10240x128xf32, #tpu.memory_space<vmem_shared>> -> memref<640x128xf32, #tpu.memory_space<vmem_shared>>
      tpu.wait_dma2 semaphore(%run_scoped3A : memref<!tpu.dma_semaphore, #tpu.memory_space<semaphore_mem>>) src(%arg3 : memref<640x128xf32, #tpu.memory_space<hbm>>) dst(%dma_wait3A_10 : memref<640x128xf32, #tpu.memory_space<vmem_shared>>)
      tpu.yield
    }) : () -> ()
    "tpu.region"() ({
      %run_scoped3A = tpu.sem_alloc : memref<!tpu.dma_semaphore, #tpu.memory_space<semaphore_mem>>
      tpu.enqueue_dma source(%arg4 : memref<128x128xf32, #tpu.memory_space<hbm>>) target(%arg8 : memref<128x128xf32, #tpu.memory_space<vmem>>) target_semaphore(%run_scoped3A : memref<!tpu.dma_semaphore, #tpu.memory_space<semaphore_mem>>)
      tpu.wait_dma2 semaphore(%run_scoped3A : memref<!tpu.dma_semaphore, #tpu.memory_space<semaphore_mem>>) src(%arg4 : memref<128x128xf32, #tpu.memory_space<hbm>>) dst(%arg8 : memref<128x128xf32, #tpu.memory_space<vmem>>)
      tpu.yield
    }) : () -> ()
    %barrier3A = arith.constant 0 : index
    tpu.barrier barrier_id(%barrier3A)
    %scan3A = arith.constant 0 : i32
    %scan3A_3 = arith.constant 0 : i32
    %scan3A_4 = arith.constant 40 : i32
    %scan3A_5 = arith.addi %scan3A_3, %scan3A_4 : i32
    %scan3A_6 = arith.constant 1 : i32
    scf.for %scan3A_9 = %scan3A_3 to %scan3A_5 step %scan3A_6  : i32 {
      %mul3A_10 = arith.constant 2 : i32
      %mul3A_11 = arith.muli %scan3A_9, %mul3A_10 : i32
      %add3A_12 = arith.constant 0 : i32
      %add3A_13 = arith.addi %mul3A_11, %add3A_12 : i32
      %mul3A_14 = arith.constant 32 : i32
      %mul3A_15 = arith.muli %add3A_13, %mul3A_14 : i32
      %add3A_16 = arith.addi %mul3A_15, %add3A : i32
      %mul3A_17 = arith.constant 128 : i32
      %mul3A_18 = arith.muli %add3A_16, %mul3A_17 : i32
      %mul3A_19 = arith.constant 2 : i32
      %mul3A_20 = arith.muli %scan3A_9, %mul3A_19 : i32
      %add3A_21 = arith.constant 1 : i32
      %add3A_22 = arith.addi %mul3A_20, %add3A_21 : i32
      %mul3A_23 = arith.constant 32 : i32
      %mul3A_24 = arith.muli %add3A_22, %mul3A_23 : i32
      %add3A_25 = arith.addi %mul3A_24, %add3A : i32
      %mul3A_26 = arith.constant 128 : i32
      %mul3A_27 = arith.muli %add3A_25, %mul3A_26 : i32
      %dma_start3A = tpu.memref_slice %arg2[%mul3A_18] : memref<327680xi32, #tpu.memory_space<hbm>> -> memref<128xi32, #tpu.memory_space<hbm>>
      %dma_start3A_28 = tpu.memref_slice %arg2[%mul3A_18] : memref<327680xi32, #tpu.memory_space<hbm>> -> memref<128xi32, #tpu.memory_space<hbm>>
      tpu.enqueue_dma source(%dma_start3A_28 : memref<128xi32, #tpu.memory_space<hbm>>) target(%arg6 : memref<128xi32, #tpu.memory_space<vmem>>) target_semaphore(%arg10 : memref<!tpu.dma_semaphore, #tpu.memory_space<semaphore_mem>>)
      %dma_start3A_29 = tpu.memref_slice %arg2[%mul3A_27] : memref<327680xi32, #tpu.memory_space<hbm>> -> memref<128xi32, #tpu.memory_space<hbm>>
      %dma_start3A_30 = tpu.memref_slice %arg2[%mul3A_27] : memref<327680xi32, #tpu.memory_space<hbm>> -> memref<128xi32, #tpu.memory_space<hbm>>
      tpu.enqueue_dma source(%dma_start3A_30 : memref<128xi32, #tpu.memory_space<hbm>>) target(%arg7 : memref<128xi32, #tpu.memory_space<vmem>>) target_semaphore(%arg10 : memref<!tpu.dma_semaphore, #tpu.memory_space<semaphore_mem>>)
      %dma_wait3A = tpu.memref_slice %arg2[%mul3A_18] : memref<327680xi32, #tpu.memory_space<hbm>> -> memref<128xi32, #tpu.memory_space<hbm>>
      %dma_wait3A_31 = tpu.memref_slice %arg2[%mul3A_18] : memref<327680xi32, #tpu.memory_space<hbm>> -> memref<128xi32, #tpu.memory_space<hbm>>
      tpu.wait_dma2 semaphore(%arg10 : memref<!tpu.dma_semaphore, #tpu.memory_space<semaphore_mem>>) src(%dma_wait3A_31 : memref<128xi32, #tpu.memory_space<hbm>>) dst(%arg6 : memref<128xi32, #tpu.memory_space<vmem>>)
      %lt3A = arith.constant 320000 : i32
      %lt3A_32 = arith.cmpi slt, %mul3A_18, %lt3A : i32
      %convert_element_type3A = arith.extui %lt3A_32 : i1 to i32
      %cond3A = arith.constant 0 : i32
      %cond3A_33 = arith.cmpi ne, %convert_element_type3A, %cond3A : i32
      scf.if %cond3A_33 {
        "tpu.region"() ({
          %run_scoped3A = tpu.sem_alloc : memref<!tpu.dma_semaphore, #tpu.memory_space<semaphore_mem>>
          %dma_start3A_41 = arith.constant 0 : i32
          %dma_start3A_42 = arith.constant 0 : i32
          %dma_start3A_43 = tpu.memref_slice %arg9[%dma_start3A_41, %dma_start3A_42] : memref<10240x128xf32, #tpu.memory_space<vmem_shared>> -> memref<10240x128xf32, #tpu.memory_space<vmem_shared>>
          tpu.enqueue_indirect_dma source(%arg8 : memref<128x128xf32, #tpu.memory_space<vmem>>) target(%dma_start3A_43 : memref<10240x128xf32, #tpu.memory_space<vmem_shared>>) offsets(%arg6 : memref<128xi32, #tpu.memory_space<vmem>>) semaphore(%run_scoped3A : memref<!tpu.dma_semaphore, #tpu.memory_space<semaphore_mem>>) {add = true}
          %dma_wait3A_44 = arith.constant 0 : i32
          %dma_wait3A_45 = arith.constant 0 : i32
          %dma_wait3A_46 = tpu.memref_slice %arg9[%dma_wait3A_44, %dma_wait3A_45] : memref<10240x128xf32, #tpu.memory_space<vmem_shared>> -> memref<10240x128xf32, #tpu.memory_space<vmem_shared>>
          tpu.wait_indirect_dma semaphore(%run_scoped3A : memref<!tpu.dma_semaphore, #tpu.memory_space<semaphore_mem>>) src(%arg8 : memref<128x128xf32, #tpu.memory_space<vmem>>) dst(%dma_wait3A_46 : memref<10240x128xf32, #tpu.memory_space<vmem_shared>>)
          tpu.yield
        }) : () -> ()
      } else {
      }
      %dma_wait3A_34 = tpu.memref_slice %arg2[%mul3A_27] : memref<327680xi32, #tpu.memory_space<hbm>> -> memref<128xi32, #tpu.memory_space<hbm>>
      %dma_wait3A_35 = tpu.memref_slice %arg2[%mul3A_27] : memref<327680xi32, #tpu.memory_space<hbm>> -> memref<128xi32, #tpu.memory_space<hbm>>
      tpu.wait_dma2 semaphore(%arg10 : memref<!tpu.dma_semaphore, #tpu.memory_space<semaphore_mem>>) src(%dma_wait3A_35 : memref<128xi32, #tpu.memory_space<hbm>>) dst(%arg7 : memref<128xi32, #tpu.memory_space<vmem>>)
      %lt3A_36 = arith.constant 320000 : i32
      %lt3A_37 = arith.cmpi slt, %mul3A_27, %lt3A_36 : i32
      %convert_element_type3A_38 = arith.extui %lt3A_37 : i1 to i32
      %cond3A_39 = arith.constant 0 : i32
      %cond3A_40 = arith.cmpi ne, %convert_element_type3A_38, %cond3A_39 : i32
      scf.if %cond3A_40 {
        "tpu.region"() ({
          %run_scoped3A = tpu.sem_alloc : memref<!tpu.dma_semaphore, #tpu.memory_space<semaphore_mem>>
          %dma_start3A_41 = arith.constant 0 : i32
          %dma_start3A_42 = arith.constant 0 : i32
          %dma_start3A_43 = tpu.memref_slice %arg9[%dma_start3A_41, %dma_start3A_42] : memref<10240x128xf32, #tpu.memory_space<vmem_shared>> -> memref<10240x128xf32, #tpu.memory_space<vmem_shared>>
          tpu.enqueue_indirect_dma source(%arg8 : memref<128x128xf32, #tpu.memory_space<vmem>>) target(%dma_start3A_43 : memref<10240x128xf32, #tpu.memory_space<vmem_shared>>) offsets(%arg7 : memref<128xi32, #tpu.memory_space<vmem>>) semaphore(%run_scoped3A : memref<!tpu.dma_semaphore, #tpu.memory_space<semaphore_mem>>) {add = true}
          %dma_wait3A_44 = arith.constant 0 : i32
          %dma_wait3A_45 = arith.constant 0 : i32
          %dma_wait3A_46 = tpu.memref_slice %arg9[%dma_wait3A_44, %dma_wait3A_45] : memref<10240x128xf32, #tpu.memory_space<vmem_shared>> -> memref<10240x128xf32, #tpu.memory_space<vmem_shared>>
          tpu.wait_indirect_dma semaphore(%run_scoped3A : memref<!tpu.dma_semaphore, #tpu.memory_space<semaphore_mem>>) src(%arg8 : memref<128x128xf32, #tpu.memory_space<vmem>>) dst(%dma_wait3A_46 : memref<10240x128xf32, #tpu.memory_space<vmem_shared>>)
          tpu.yield
        }) : () -> ()
      } else {
      }
    }
    %scan3A_7 = arith.constant 40 : i32
    %barrier3A_8 = arith.constant 0 : index
    tpu.barrier barrier_id(%barrier3A_8)
    "tpu.region"() ({
      %run_scoped3A = tpu.sem_alloc : memref<!tpu.dma_semaphore, #tpu.memory_space<semaphore_mem>>
      %dma_start3A = arith.constant 0 : i32
      %dma_start3A_9 = tpu.memref_slice %arg5[%arg0, %mul3A_2, %dma_start3A] : memref<2x10240x128xf32, #tpu.memory_space<hbm>> -> memref<1x640x128xf32, #tpu.memory_space<hbm>>
      %dma_start3A_10 = tpu.memref_squeeze %dma_start3A_9 : memref<1x640x128xf32, #tpu.memory_space<hbm>> -> memref<640x128xf32, #tpu.memory_space<hbm>>
      %dma_start3A_11 = arith.constant 0 : i32
      %dma_start3A_12 = tpu.memref_slice %arg9[%mul3A_2, %dma_start3A_11] : memref<10240x128xf32, #tpu.memory_space<vmem_shared>> -> memref<640x128xf32, #tpu.memory_space<vmem_shared>>
      tpu.enqueue_dma source(%dma_start3A_12 : memref<640x128xf32, #tpu.memory_space<vmem_shared>>) target(%dma_start3A_10 : memref<640x128xf32, #tpu.memory_space<hbm>>) target_semaphore(%run_scoped3A : memref<!tpu.dma_semaphore, #tpu.memory_space<semaphore_mem>>)
      %dma_wait3A = arith.constant 0 : i32
      %dma_wait3A_13 = tpu.memref_slice %arg5[%arg0, %mul3A_2, %dma_wait3A] : memref<2x10240x128xf32, #tpu.memory_space<hbm>> -> memref<1x640x128xf32, #tpu.memory_space<hbm>>
      %dma_wait3A_14 = tpu.memref_squeeze %dma_wait3A_13 : memref<1x640x128xf32, #tpu.memory_space<hbm>> -> memref<640x128xf32, #tpu.memory_space<hbm>>
      %dma_wait3A_15 = arith.constant 0 : i32
      %dma_wait3A_16 = tpu.memref_slice %arg9[%mul3A_2, %dma_wait3A_15] : memref<10240x128xf32, #tpu.memory_space<vmem_shared>> -> memref<640x128xf32, #tpu.memory_space<vmem_shared>>
      tpu.wait_dma2 semaphore(%run_scoped3A : memref<!tpu.dma_semaphore, #tpu.memory_space<semaphore_mem>>) src(%dma_wait3A_16 : memref<640x128xf32, #tpu.memory_space<vmem_shared>>) dst(%dma_wait3A_14 : memref<640x128xf32, #tpu.memory_space<hbm>>)
      tpu.yield
    }) : () -> ()
    return
  }
}

#map = affine_map<(d0, d1) -> (0)>
#map1 = affine_map<(d0, d1) -> (0, 0)>
#map2 = affine_map<(d0, d1) -> (0, 0, 0)>
module attributes {stable_mosaic.version = 14 : i64} {
  func.func @_sc_scatter(%arg0: i32, %arg1: i32, %arg2: memref<327680xi32, #tpu.memory_space<hbm>>, %arg3: memref<327680x128xf32, #tpu.memory_space<hbm>>, %arg4: memref<640x128xf32, #tpu.memory_space<hbm>>, %arg5: memref<2x10240x128xf32, #tpu.memory_space<hbm>>, %arg6: memref<128xi32, #tpu.memory_space<vmem>>, %arg7: memref<128xi32, #tpu.memory_space<vmem>>, %arg8: memref<128x128xf32, #tpu.memory_space<vmem>>, %arg9: memref<128x128xf32, #tpu.memory_space<vmem>>, %arg10: memref<10240x128xf32, #tpu.memory_space<vmem_shared>>, %arg11: memref<!tpu.dma_semaphore, #tpu.memory_space<semaphore_mem>>, %arg12: memref<!tpu.dma_semaphore, #tpu.memory_space<semaphore_mem>>) attributes {dimension_semantics = [#tpu.dimension_semantics<core_parallel>, #tpu.dimension_semantics<subcore_parallel>], iteration_bounds = array<i64: 2, 16>, scalar_prefetch = 0 : i64, scratch_operands = 7 : i64, tpu.core_type = #tpu.core_type<sc_vector_subcore>, window_params = [{transform_indices = #map}, {transform_indices = #map1}, {transform_indices = #map1}, {transform_indices = #map2}]} {
    %mul3A = arith.constant 2 : i32
    %mul3A_0 = arith.muli %arg1, %mul3A : i32
    %add3A = arith.addi %mul3A_0, %arg0 : i32
    %mul3A_1 = arith.constant 640 : i32
    %mul3A_2 = arith.muli %arg1, %mul3A_1 : i32
    "tpu.region"() ({
      %run_scoped3A = tpu.sem_alloc : memref<!tpu.dma_semaphore, #tpu.memory_space<semaphore_mem>>
      %dma_start3A = arith.constant 0 : i32
      %dma_start3A_9 = tpu.memref_slice %arg10[%mul3A_2, %dma_start3A] : memref<10240x128xf32, #tpu.memory_space<vmem_shared>> -> memref<640x128xf32, #tpu.memory_space<vmem_shared>>
      tpu.enqueue_dma source(%arg4 : memref<640x128xf32, #tpu.memory_space<hbm>>) target(%dma_start3A_9 : memref<640x128xf32, #tpu.memory_space<vmem_shared>>) target_semaphore(%run_scoped3A : memref<!tpu.dma_semaphore, #tpu.memory_space<semaphore_mem>>)
      %dma_wait3A = arith.constant 0 : i32
      %dma_wait3A_10 = tpu.memref_slice %arg10[%mul3A_2, %dma_wait3A] : memref<10240x128xf32, #tpu.memory_space<vmem_shared>> -> memref<640x128xf32, #tpu.memory_space<vmem_shared>>
      tpu.wait_dma2 semaphore(%run_scoped3A : memref<!tpu.dma_semaphore, #tpu.memory_space<semaphore_mem>>) src(%arg4 : memref<640x128xf32, #tpu.memory_space<hbm>>) dst(%dma_wait3A_10 : memref<640x128xf32, #tpu.memory_space<vmem_shared>>)
      tpu.yield
    }) : () -> ()
    %barrier3A = arith.constant 0 : index
    tpu.barrier barrier_id(%barrier3A)
    %scan3A = arith.constant 0 : i32
    %scan3A_3 = arith.constant 0 : i32
    %scan3A_4 = arith.constant 40 : i32
    %scan3A_5 = arith.addi %scan3A_3, %scan3A_4 : i32
    %scan3A_6 = arith.constant 1 : i32
    scf.for %scan3A_9 = %scan3A_3 to %scan3A_5 step %scan3A_6  : i32 {
      %mul3A_10 = arith.constant 2 : i32
      %mul3A_11 = arith.muli %scan3A_9, %mul3A_10 : i32
      %add3A_12 = arith.constant 0 : i32
      %add3A_13 = arith.addi %mul3A_11, %add3A_12 : i32
      %mul3A_14 = arith.constant 32 : i32
      %mul3A_15 = arith.muli %add3A_13, %mul3A_14 : i32
      %add3A_16 = arith.addi %mul3A_15, %add3A : i32
      %mul3A_17 = arith.constant 128 : i32
      %mul3A_18 = arith.muli %add3A_16, %mul3A_17 : i32
      %mul3A_19 = arith.constant 2 : i32
      %mul3A_20 = arith.muli %scan3A_9, %mul3A_19 : i32
      %add3A_21 = arith.constant 1 : i32
      %add3A_22 = arith.addi %mul3A_20, %add3A_21 : i32
      %mul3A_23 = arith.constant 32 : i32
      %mul3A_24 = arith.muli %add3A_22, %mul3A_23 : i32
      %add3A_25 = arith.addi %mul3A_24, %add3A : i32
      %mul3A_26 = arith.constant 128 : i32
      %mul3A_27 = arith.muli %add3A_25, %mul3A_26 : i32
      %dma_start3A = tpu.memref_slice %arg2[%mul3A_18] : memref<327680xi32, #tpu.memory_space<hbm>> -> memref<128xi32, #tpu.memory_space<hbm>>
      %dma_start3A_28 = tpu.memref_slice %arg2[%mul3A_18] : memref<327680xi32, #tpu.memory_space<hbm>> -> memref<128xi32, #tpu.memory_space<hbm>>
      tpu.enqueue_dma source(%dma_start3A_28 : memref<128xi32, #tpu.memory_space<hbm>>) target(%arg6 : memref<128xi32, #tpu.memory_space<vmem>>) target_semaphore(%arg11 : memref<!tpu.dma_semaphore, #tpu.memory_space<semaphore_mem>>)
      %dma_start3A_29 = arith.constant 0 : i32
      %dma_start3A_30 = tpu.memref_slice %arg3[%mul3A_18, %dma_start3A_29] : memref<327680x128xf32, #tpu.memory_space<hbm>> -> memref<128x128xf32, #tpu.memory_space<hbm>>
      %dma_start3A_31 = arith.constant 0 : i32
      %dma_start3A_32 = tpu.memref_slice %arg3[%mul3A_18, %dma_start3A_31] : memref<327680x128xf32, #tpu.memory_space<hbm>> -> memref<128x128xf32, #tpu.memory_space<hbm>>
      tpu.enqueue_dma source(%dma_start3A_32 : memref<128x128xf32, #tpu.memory_space<hbm>>) target(%arg8 : memref<128x128xf32, #tpu.memory_space<vmem>>) target_semaphore(%arg12 : memref<!tpu.dma_semaphore, #tpu.memory_space<semaphore_mem>>)
      %dma_start3A_33 = tpu.memref_slice %arg2[%mul3A_27] : memref<327680xi32, #tpu.memory_space<hbm>> -> memref<128xi32, #tpu.memory_space<hbm>>
      %dma_start3A_34 = tpu.memref_slice %arg2[%mul3A_27] : memref<327680xi32, #tpu.memory_space<hbm>> -> memref<128xi32, #tpu.memory_space<hbm>>
      tpu.enqueue_dma source(%dma_start3A_34 : memref<128xi32, #tpu.memory_space<hbm>>) target(%arg7 : memref<128xi32, #tpu.memory_space<vmem>>) target_semaphore(%arg11 : memref<!tpu.dma_semaphore, #tpu.memory_space<semaphore_mem>>)
      %dma_start3A_35 = arith.constant 0 : i32
      %dma_start3A_36 = tpu.memref_slice %arg3[%mul3A_27, %dma_start3A_35] : memref<327680x128xf32, #tpu.memory_space<hbm>> -> memref<128x128xf32, #tpu.memory_space<hbm>>
      %dma_start3A_37 = arith.constant 0 : i32
      %dma_start3A_38 = tpu.memref_slice %arg3[%mul3A_27, %dma_start3A_37] : memref<327680x128xf32, #tpu.memory_space<hbm>> -> memref<128x128xf32, #tpu.memory_space<hbm>>
      tpu.enqueue_dma source(%dma_start3A_38 : memref<128x128xf32, #tpu.memory_space<hbm>>) target(%arg9 : memref<128x128xf32, #tpu.memory_space<vmem>>) target_semaphore(%arg12 : memref<!tpu.dma_semaphore, #tpu.memory_space<semaphore_mem>>)
      %dma_wait3A = tpu.memref_slice %arg2[%mul3A_18] : memref<327680xi32, #tpu.memory_space<hbm>> -> memref<128xi32, #tpu.memory_space<hbm>>
      %dma_wait3A_39 = tpu.memref_slice %arg2[%mul3A_18] : memref<327680xi32, #tpu.memory_space<hbm>> -> memref<128xi32, #tpu.memory_space<hbm>>
      tpu.wait_dma2 semaphore(%arg11 : memref<!tpu.dma_semaphore, #tpu.memory_space<semaphore_mem>>) src(%dma_wait3A_39 : memref<128xi32, #tpu.memory_space<hbm>>) dst(%arg6 : memref<128xi32, #tpu.memory_space<vmem>>)
      %dma_wait3A_40 = arith.constant 0 : i32
      %dma_wait3A_41 = tpu.memref_slice %arg3[%mul3A_18, %dma_wait3A_40] : memref<327680x128xf32, #tpu.memory_space<hbm>> -> memref<128x128xf32, #tpu.memory_space<hbm>>
      %dma_wait3A_42 = arith.constant 0 : i32
      %dma_wait3A_43 = tpu.memref_slice %arg3[%mul3A_18, %dma_wait3A_42] : memref<327680x128xf32, #tpu.memory_space<hbm>> -> memref<128x128xf32, #tpu.memory_space<hbm>>
      tpu.wait_dma2 semaphore(%arg12 : memref<!tpu.dma_semaphore, #tpu.memory_space<semaphore_mem>>) src(%dma_wait3A_43 : memref<128x128xf32, #tpu.memory_space<hbm>>) dst(%arg8 : memref<128x128xf32, #tpu.memory_space<vmem>>)
      %lt3A = arith.constant 320000 : i32
      %lt3A_44 = arith.cmpi slt, %mul3A_18, %lt3A : i32
      %convert_element_type3A = arith.extui %lt3A_44 : i1 to i32
      %cond3A = arith.constant 0 : i32
      %cond3A_45 = arith.cmpi ne, %convert_element_type3A, %cond3A : i32
      scf.if %cond3A_45 {
        "tpu.region"() ({
          %run_scoped3A = tpu.sem_alloc : memref<!tpu.dma_semaphore, #tpu.memory_space<semaphore_mem>>
          %dma_start3A_57 = arith.constant 0 : i32
          %dma_start3A_58 = arith.constant 0 : i32
          %dma_start3A_59 = tpu.memref_slice %arg10[%dma_start3A_57, %dma_start3A_58] : memref<10240x128xf32, #tpu.memory_space<vmem_shared>> -> memref<10240x128xf32, #tpu.memory_space<vmem_shared>>
          tpu.enqueue_indirect_dma source(%arg8 : memref<128x128xf32, #tpu.memory_space<vmem>>) target(%dma_start3A_59 : memref<10240x128xf32, #tpu.memory_space<vmem_shared>>) offsets(%arg6 : memref<128xi32, #tpu.memory_space<vmem>>) semaphore(%run_scoped3A : memref<!tpu.dma_semaphore, #tpu.memory_space<semaphore_mem>>) {add = true}
          %dma_wait3A_60 = arith.constant 0 : i32
          %dma_wait3A_61 = arith.constant 0 : i32
          %dma_wait3A_62 = tpu.memref_slice %arg10[%dma_wait3A_60, %dma_wait3A_61] : memref<10240x128xf32, #tpu.memory_space<vmem_shared>> -> memref<10240x128xf32, #tpu.memory_space<vmem_shared>>
          tpu.wait_indirect_dma semaphore(%run_scoped3A : memref<!tpu.dma_semaphore, #tpu.memory_space<semaphore_mem>>) src(%arg8 : memref<128x128xf32, #tpu.memory_space<vmem>>) dst(%dma_wait3A_62 : memref<10240x128xf32, #tpu.memory_space<vmem_shared>>)
          tpu.yield
        }) : () -> ()
      } else {
      }
      %dma_wait3A_46 = tpu.memref_slice %arg2[%mul3A_27] : memref<327680xi32, #tpu.memory_space<hbm>> -> memref<128xi32, #tpu.memory_space<hbm>>
      %dma_wait3A_47 = tpu.memref_slice %arg2[%mul3A_27] : memref<327680xi32, #tpu.memory_space<hbm>> -> memref<128xi32, #tpu.memory_space<hbm>>
      tpu.wait_dma2 semaphore(%arg11 : memref<!tpu.dma_semaphore, #tpu.memory_space<semaphore_mem>>) src(%dma_wait3A_47 : memref<128xi32, #tpu.memory_space<hbm>>) dst(%arg7 : memref<128xi32, #tpu.memory_space<vmem>>)
      %dma_wait3A_48 = arith.constant 0 : i32
      %dma_wait3A_49 = tpu.memref_slice %arg3[%mul3A_27, %dma_wait3A_48] : memref<327680x128xf32, #tpu.memory_space<hbm>> -> memref<128x128xf32, #tpu.memory_space<hbm>>
      %dma_wait3A_50 = arith.constant 0 : i32
      %dma_wait3A_51 = tpu.memref_slice %arg3[%mul3A_27, %dma_wait3A_50] : memref<327680x128xf32, #tpu.memory_space<hbm>> -> memref<128x128xf32, #tpu.memory_space<hbm>>
      tpu.wait_dma2 semaphore(%arg12 : memref<!tpu.dma_semaphore, #tpu.memory_space<semaphore_mem>>) src(%dma_wait3A_51 : memref<128x128xf32, #tpu.memory_space<hbm>>) dst(%arg9 : memref<128x128xf32, #tpu.memory_space<vmem>>)
      %lt3A_52 = arith.constant 320000 : i32
      %lt3A_53 = arith.cmpi slt, %mul3A_27, %lt3A_52 : i32
      %convert_element_type3A_54 = arith.extui %lt3A_53 : i1 to i32
      %cond3A_55 = arith.constant 0 : i32
      %cond3A_56 = arith.cmpi ne, %convert_element_type3A_54, %cond3A_55 : i32
      scf.if %cond3A_56 {
        "tpu.region"() ({
          %run_scoped3A = tpu.sem_alloc : memref<!tpu.dma_semaphore, #tpu.memory_space<semaphore_mem>>
          %dma_start3A_57 = arith.constant 0 : i32
          %dma_start3A_58 = arith.constant 0 : i32
          %dma_start3A_59 = tpu.memref_slice %arg10[%dma_start3A_57, %dma_start3A_58] : memref<10240x128xf32, #tpu.memory_space<vmem_shared>> -> memref<10240x128xf32, #tpu.memory_space<vmem_shared>>
          tpu.enqueue_indirect_dma source(%arg9 : memref<128x128xf32, #tpu.memory_space<vmem>>) target(%dma_start3A_59 : memref<10240x128xf32, #tpu.memory_space<vmem_shared>>) offsets(%arg7 : memref<128xi32, #tpu.memory_space<vmem>>) semaphore(%run_scoped3A : memref<!tpu.dma_semaphore, #tpu.memory_space<semaphore_mem>>) {add = true}
          %dma_wait3A_60 = arith.constant 0 : i32
          %dma_wait3A_61 = arith.constant 0 : i32
          %dma_wait3A_62 = tpu.memref_slice %arg10[%dma_wait3A_60, %dma_wait3A_61] : memref<10240x128xf32, #tpu.memory_space<vmem_shared>> -> memref<10240x128xf32, #tpu.memory_space<vmem_shared>>
          tpu.wait_indirect_dma semaphore(%run_scoped3A : memref<!tpu.dma_semaphore, #tpu.memory_space<semaphore_mem>>) src(%arg9 : memref<128x128xf32, #tpu.memory_space<vmem>>) dst(%dma_wait3A_62 : memref<10240x128xf32, #tpu.memory_space<vmem_shared>>)
          tpu.yield
        }) : () -> ()
      } else {
      }
    }
    %scan3A_7 = arith.constant 40 : i32
    %barrier3A_8 = arith.constant 0 : index
    tpu.barrier barrier_id(%barrier3A_8)
    "tpu.region"() ({
      %run_scoped3A = tpu.sem_alloc : memref<!tpu.dma_semaphore, #tpu.memory_space<semaphore_mem>>
      %dma_start3A = arith.constant 0 : i32
      %dma_start3A_9 = tpu.memref_slice %arg5[%arg0, %mul3A_2, %dma_start3A] : memref<2x10240x128xf32, #tpu.memory_space<hbm>> -> memref<1x640x128xf32, #tpu.memory_space<hbm>>
      %dma_start3A_10 = tpu.memref_squeeze %dma_start3A_9 : memref<1x640x128xf32, #tpu.memory_space<hbm>> -> memref<640x128xf32, #tpu.memory_space<hbm>>
      %dma_start3A_11 = arith.constant 0 : i32
      %dma_start3A_12 = tpu.memref_slice %arg10[%mul3A_2, %dma_start3A_11] : memref<10240x128xf32, #tpu.memory_space<vmem_shared>> -> memref<640x128xf32, #tpu.memory_space<vmem_shared>>
      tpu.enqueue_dma source(%dma_start3A_12 : memref<640x128xf32, #tpu.memory_space<vmem_shared>>) target(%dma_start3A_10 : memref<640x128xf32, #tpu.memory_space<hbm>>) target_semaphore(%run_scoped3A : memref<!tpu.dma_semaphore, #tpu.memory_space<semaphore_mem>>)
      %dma_wait3A = arith.constant 0 : i32
      %dma_wait3A_13 = tpu.memref_slice %arg5[%arg0, %mul3A_2, %dma_wait3A] : memref<2x10240x128xf32, #tpu.memory_space<hbm>> -> memref<1x640x128xf32, #tpu.memory_space<hbm>>
      %dma_wait3A_14 = tpu.memref_squeeze %dma_wait3A_13 : memref<1x640x128xf32, #tpu.memory_space<hbm>> -> memref<640x128xf32, #tpu.memory_space<hbm>>
      %dma_wait3A_15 = arith.constant 0 : i32
      %dma_wait3A_16 = tpu.memref_slice %arg10[%mul3A_2, %dma_wait3A_15] : memref<10240x128xf32, #tpu.memory_space<vmem_shared>> -> memref<640x128xf32, #tpu.memory_space<vmem_shared>>
      tpu.wait_dma2 semaphore(%run_scoped3A : memref<!tpu.dma_semaphore, #tpu.memory_space<semaphore_mem>>) src(%dma_wait3A_16 : memref<640x128xf32, #tpu.memory_space<vmem_shared>>) dst(%dma_wait3A_14 : memref<640x128xf32, #tpu.memory_space<hbm>>)
      tpu.yield
    }) : () -> ()
    return
  }
}

module attributes {stable_mosaic.version = 14 : i64} {
  func.func @_g_body(%arg0: i32, %arg1: memref<2000x128xf32, #tpu.memory_space<vmem>>, %arg2: memref<128x128xf32, #tpu.memory_space<vmem>>, %arg3: memref<2000x128xf32, #tpu.memory_space<vmem>>) attributes {dimension_semantics = [#tpu.dimension_semantics<arbitrary>], iteration_bounds = array<i64: 5>, scalar_prefetch = 0 : i64, scratch_operands = 0 : i64, tpu.core_type = #tpu.core_type<tc>, window_params = [{transform_indices = @transform_0, window_bounds = array<i64: 2000, 128>}, {pipeline_mode = #tpu.pipeline_mode<synchronous>, transform_indices = @transform_1, window_bounds = array<i64: 128, 128>}, {transform_indices = @transform_2, window_bounds = array<i64: 2000, 128>}]} {
    %get3A = arith.constant 0 : index
    %get3A_0 = arith.constant 0 : index
    %get3A_1 = vector.load %arg1[%get3A, %get3A_0] : memref<2000x128xf32, #tpu.memory_space<vmem>>, vector<2000x128xf32>
    %get3A_2 = arith.constant 0 : index
    %get3A_3 = arith.constant 0 : index
    %get3A_4 = vector.load %arg2[%get3A_2, %get3A_3] : memref<128x128xf32, #tpu.memory_space<vmem>>, vector<128x128xf32>
    %dot_general3A = arith.constant dense<0.000000e+00> : vector<2000x128xf32>
    %dot_general3A_5 = tpu.matmul %get3A_1, %get3A_4, %dot_general3A {dimension_numbers = #tpu.dot_dimension_numbers<[1], [0], [0], [1], [0, 0, 1, 1], [], []>, transpose_lhs_hint = false} : vector<2000x128xf32>, vector<128x128xf32>, vector<2000x128xf32> -> vector<2000x128xf32>
    %swap3A = arith.constant 0 : index
    %swap3A_6 = arith.constant 0 : index
    %swap3A_7 = vector.load %arg3[%swap3A, %swap3A_6] : memref<2000x128xf32, #tpu.memory_space<vmem>>, vector<2000x128xf32>
    tpu.vector_store %arg3[%swap3A, %swap3A_6], %dot_general3A_5 {strides = array<i32>} : memref<2000x128xf32, #tpu.memory_space<vmem>>, vector<2000x128xf32>,
    return
  }
  func.func @transform_0(%arg0: i32) -> (i32, i32) {
    %c0_i32 = arith.constant 0 : i32
    %c0_i32_0 = arith.constant 0 : i32
    return %arg0, %c0_i32 : i32, i32
  }
  func.func @transform_1(%arg0: i32) -> (i32, i32) {
    %c0_i32 = arith.constant 0 : i32
    %c0_i32_0 = arith.constant 0 : i32
    %c0_i32_1 = arith.constant 0 : i32
    return %c0_i32, %c0_i32_0 : i32, i32
  }
  func.func @transform_2(%arg0: i32) -> (i32, i32) {
    %c0_i32 = arith.constant 0 : i32
    %c0_i32_0 = arith.constant 0 : i32
    return %arg0, %c0_i32 : i32, i32
  }
}

module attributes {stable_mosaic.version = 14 : i64} {
  func.func @_edge_body(%arg0: i32, %arg1: memref<2048x128xf32, #tpu.memory_space<vmem>>, %arg2: memref<2048x16xf32, #tpu.memory_space<vmem>>, %arg3: memref<16x128xf32, #tpu.memory_space<vmem>>, %arg4: memref<1x128xf32, #tpu.memory_space<vmem>>, %arg5: memref<2048x128xf32, #tpu.memory_space<vmem>>) attributes {dimension_semantics = [#tpu.dimension_semantics<arbitrary>], iteration_bounds = array<i64: 160>, scalar_prefetch = 0 : i64, scratch_operands = 0 : i64, tpu.core_type = #tpu.core_type<tc>, window_params = [{transform_indices = @transform_0, window_bounds = array<i64: 2048, 128>}, {transform_indices = @transform_1, window_bounds = array<i64: 2048, 16>}, {pipeline_mode = #tpu.pipeline_mode<synchronous>, transform_indices = @transform_2, window_bounds = array<i64: 16, 128>}, {pipeline_mode = #tpu.pipeline_mode<synchronous>, transform_indices = @transform_3, window_bounds = array<i64: 1, 128>}, {transform_indices = @transform_4, window_bounds = array<i64: 2048, 128>}]} {
    %get3A = arith.constant 0 : index
    %get3A_0 = arith.constant 0 : index
    %get3A_1 = vector.load %arg1[%get3A, %get3A_0] : memref<2048x128xf32, #tpu.memory_space<vmem>>, vector<2048x128xf32>
    %get3A_2 = arith.constant 0 : index
    %get3A_3 = arith.constant 0 : index
    %get3A_4 = vector.load %arg2[%get3A_2, %get3A_3] : memref<2048x16xf32, #tpu.memory_space<vmem>>, vector<2048x16xf32>
    %get3A_5 = arith.constant 0 : index
    %get3A_6 = arith.constant 0 : index
    %get3A_7 = vector.load %arg3[%get3A_5, %get3A_6] : memref<16x128xf32, #tpu.memory_space<vmem>>, vector<16x128xf32>
    %dot_general3A = arith.constant dense<0.000000e+00> : vector<2048x128xf32>
    %dot_general3A_8 = tpu.matmul %get3A_4, %get3A_7, %dot_general3A {dimension_numbers = #tpu.dot_dimension_numbers<[1], [0], [0], [1], [0, 0, 1, 1], [], []>, transpose_lhs_hint = false} : vector<2048x16xf32>, vector<16x128xf32>, vector<2048x128xf32> -> vector<2048x128xf32>
    %add3A = arith.addf %get3A_1, %dot_general3A_8 : vector<2048x128xf32>
    %get3A_9 = arith.constant 0 : index
    %get3A_10 = arith.constant 0 : index
    %get3A_11 = vector.load %arg4[%get3A_9, %get3A_10] : memref<1x128xf32, #tpu.memory_space<vmem>>, vector<1x128xf32>
    %add3A_12 = vector.broadcast %get3A_11 : vector<1x128xf32> to vector<2048x128xf32>
    %add3A_13 = arith.addf %add3A, %add3A_12 : vector<2048x128xf32>
    %neg3A = arith.constant 0.000000e+00 : f32
    %neg3A_14 = vector.broadcast %neg3A : f32 to vector<2048x128xf32>
    %neg3A_15 = arith.subf %neg3A_14, %add3A_13 : vector<2048x128xf32>
    %exp3A = math.exp %neg3A_15 : vector<2048x128xf32>
    %add3A_16 = arith.constant 1.000000e+00 : f32
    %add3A_17 = vector.broadcast %add3A_16 : f32 to vector<2048x128xf32>
    %add3A_18 = arith.addf %add3A_17, %exp3A : vector<2048x128xf32>
    %div3A = arith.constant 1.000000e+00 : f32
    %div3A_19 = vector.broadcast %div3A : f32 to vector<2048x128xf32>
    %div3A_20 = arith.divf %div3A_19, %add3A_18 : vector<2048x128xf32>
    %mul3A = arith.mulf %add3A_13, %div3A_20 : vector<2048x128xf32>
    %swap3A = arith.constant 0 : index
    %swap3A_21 = arith.constant 0 : index
    %swap3A_22 = vector.load %arg5[%swap3A, %swap3A_21] : memref<2048x128xf32, #tpu.memory_space<vmem>>, vector<2048x128xf32>
    tpu.vector_store %arg5[%swap3A, %swap3A_21], %mul3A {strides = array<i32>} : memref<2048x128xf32, #tpu.memory_space<vmem>>, vector<2048x128xf32>,
    return
  }
  func.func @transform_0(%arg0: i32) -> (i32, i32) {
    %c0_i32 = arith.constant 0 : i32
    %c0_i32_0 = arith.constant 0 : i32
    return %arg0, %c0_i32 : i32, i32
  }
  func.func @transform_1(%arg0: i32) -> (i32, i32) {
    %c0_i32 = arith.constant 0 : i32
    %c0_i32_0 = arith.constant 0 : i32
    return %arg0, %c0_i32 : i32, i32
  }
  func.func @transform_2(%arg0: i32) -> (i32, i32) {
    %c0_i32 = arith.constant 0 : i32
    %c0_i32_0 = arith.constant 0 : i32
    %c0_i32_1 = arith.constant 0 : i32
    return %c0_i32, %c0_i32_0 : i32, i32
  }
  func.func @transform_3(%arg0: i32) -> (i32, i32) {
    %c0_i32 = arith.constant 0 : i32
    %c0_i32_0 = arith.constant 0 : i32
    %c0_i32_1 = arith.constant 0 : i32
    return %c0_i32, %c0_i32_0 : i32, i32
  }
  func.func @transform_4(%arg0: i32) -> (i32, i32) {
    %c0_i32 = arith.constant 0 : i32
    %c0_i32_0 = arith.constant 0 : i32
    return %arg0, %c0_i32 : i32, i32
  }
}

module attributes {stable_mosaic.version = 14 : i64} {
  func.func @_out_body(%arg0: i32, %arg1: memref<2000x128xf32, #tpu.memory_space<vmem>>, %arg2: memref<2x2000x128xf32, #tpu.memory_space<vmem>>, %arg3: memref<2x2000x128xf32, #tpu.memory_space<vmem>>, %arg4: memref<128x128xf32, #tpu.memory_space<vmem>>, %arg5: memref<1x128xf32, #tpu.memory_space<vmem>>, %arg6: memref<2000x128xf32, #tpu.memory_space<vmem>>) attributes {dimension_semantics = [#tpu.dimension_semantics<arbitrary>], iteration_bounds = array<i64: 5>, scalar_prefetch = 0 : i64, scratch_operands = 0 : i64, tpu.core_type = #tpu.core_type<tc>, window_params = [{transform_indices = @transform_0, window_bounds = array<i64: 2000, 128>}, {transform_indices = @transform_1, window_bounds = array<i64: 2, 2000, 128>}, {transform_indices = @transform_2, window_bounds = array<i64: 2, 2000, 128>}, {pipeline_mode = #tpu.pipeline_mode<synchronous>, transform_indices = @transform_3, window_bounds = array<i64: 128, 128>}, {pipeline_mode = #tpu.pipeline_mode<synchronous>, transform_indices = @transform_4, window_bounds = array<i64: 1, 128>}, {transform_indices = @transform_5, window_bounds = array<i64: 2000, 128>}]} {
    %get3A = arith.constant 0 : index
    %get3A_0 = arith.constant 0 : index
    %get3A_1 = arith.constant 0 : index
    %get3A_2 = vector.load %arg2[%get3A, %get3A_0, %get3A_1] : memref<2x2000x128xf32, #tpu.memory_space<vmem>>, vector<1x2000x128xf32>
    %get3A_3 = vector.shape_cast %get3A_2 : vector<1x2000x128xf32> to vector<2000x128xf32>
    %get3A_4 = arith.constant 1 : index
    %get3A_5 = arith.constant 0 : index
    %get3A_6 = arith.constant 0 : index
    %get3A_7 = vector.load %arg2[%get3A_4, %get3A_5, %get3A_6] : memref<2x2000x128xf32, #tpu.memory_space<vmem>>, vector<1x2000x128xf32>
    %get3A_8 = vector.shape_cast %get3A_7 : vector<1x2000x128xf32> to vector<2000x128xf32>
    %add3A = arith.addf %get3A_3, %get3A_8 : vector<2000x128xf32>
    %get3A_9 = arith.constant 0 : index
    %get3A_10 = arith.constant 0 : index
    %get3A_11 = arith.constant 0 : index
    %get3A_12 = vector.load %arg3[%get3A_9, %get3A_10, %get3A_11] : memref<2x2000x128xf32, #tpu.memory_space<vmem>>, vector<1x2000x1xf32>
    %get3A_13 = vector.shape_cast %get3A_12 : vector<1x2000x1xf32> to vector<2000x1xf32>
    %get3A_14 = arith.constant 1 : index
    %get3A_15 = arith.constant 0 : index
    %get3A_16 = arith.constant 0 : index
    %get3A_17 = vector.load %arg3[%get3A_14, %get3A_15, %get3A_16] : memref<2x2000x128xf32, #tpu.memory_space<vmem>>, vector<1x2000x1xf32>
    %get3A_18 = vector.shape_cast %get3A_17 : vector<1x2000x1xf32> to vector<2000x1xf32>
    %add3A_19 = arith.addf %get3A_13, %get3A_18 : vector<2000x1xf32>
    %get3A_20 = arith.constant 0 : index
    %get3A_21 = arith.constant 0 : index
    %get3A_22 = vector.load %arg1[%get3A_20, %get3A_21] : memref<2000x128xf32, #tpu.memory_space<vmem>>, vector<2000x128xf32>
    %get3A_23 = arith.constant 0 : index
    %get3A_24 = arith.constant 0 : index
    %get3A_25 = vector.load %arg4[%get3A_23, %get3A_24] : memref<128x128xf32, #tpu.memory_space<vmem>>, vector<128x128xf32>
    %dot_general3A = arith.constant dense<0.000000e+00> : vector<2000x128xf32>
    %dot_general3A_26 = tpu.matmul %add3A, %get3A_25, %dot_general3A {dimension_numbers = #tpu.dot_dimension_numbers<[1], [0], [0], [1], [0, 0, 1, 1], [], []>, transpose_lhs_hint = false} : vector<2000x128xf32>, vector<128x128xf32>, vector<2000x128xf32> -> vector<2000x128xf32>
    %add3A_27 = arith.addf %get3A_22, %dot_general3A_26 : vector<2000x128xf32>
    %get3A_28 = arith.constant 0 : index
    %get3A_29 = arith.constant 0 : index
    %get3A_30 = vector.load %arg5[%get3A_28, %get3A_29] : memref<1x128xf32, #tpu.memory_space<vmem>>, vector<1x128xf32>
    %mul3A = vector.broadcast %add3A_19 : vector<2000x1xf32> to vector<2000x128xf32>
    %mul3A_31 = vector.broadcast %get3A_30 : vector<1x128xf32> to vector<2000x128xf32>
    %mul3A_32 = arith.mulf %mul3A, %mul3A_31 : vector<2000x128xf32>
    %add3A_33 = arith.addf %add3A_27, %mul3A_32 : vector<2000x128xf32>
    %swap3A = arith.constant 0 : index
    %swap3A_34 = arith.constant 0 : index
    %swap3A_35 = vector.load %arg6[%swap3A, %swap3A_34] : memref<2000x128xf32, #tpu.memory_space<vmem>>, vector<2000x128xf32>
    tpu.vector_store %arg6[%swap3A, %swap3A_34], %add3A_33 {strides = array<i32>} : memref<2000x128xf32, #tpu.memory_space<vmem>>, vector<2000x128xf32>,
    return
  }
  func.func @transform_0(%arg0: i32) -> (i32, i32) {
    %c0_i32 = arith.constant 0 : i32
    %c0_i32_0 = arith.constant 0 : i32
    return %arg0, %c0_i32 : i32, i32
  }
  func.func @transform_1(%arg0: i32) -> (i32, i32, i32) {
    %c0_i32 = arith.constant 0 : i32
    %c0_i32_0 = arith.constant 0 : i32
    %c0_i32_1 = arith.constant 0 : i32
    return %c0_i32, %arg0, %c0_i32_0 : i32, i32, i32
  }
  func.func @transform_2(%arg0: i32) -> (i32, i32, i32) {
    %c0_i32 = arith.constant 0 : i32
    %c0_i32_0 = arith.constant 0 : i32
    %c0_i32_1 = arith.constant 0 : i32
    return %c0_i32, %arg0, %c0_i32_0 : i32, i32, i32
  }
  func.func @transform_3(%arg0: i32) -> (i32, i32) {
    %c0_i32 = arith.constant 0 : i32
    %c0_i32_0 = arith.constant 0 : i32
    %c0_i32_1 = arith.constant 0 : i32
    return %c0_i32, %c0_i32_0 : i32, i32
  }
  func.func @transform_4(%arg0: i32) -> (i32, i32) {
    %c0_i32 = arith.constant 0 : i32
    %c0_i32_0 = arith.constant 0 : i32
    %c0_i32_1 = arith.constant 0 : i32
    return %c0_i32, %c0_i32_0 : i32, i32
  }
  func.func @transform_5(%arg0: i32) -> (i32, i32) {
    %c0_i32 = arith.constant 0 : i32
    %c0_i32_0 = arith.constant 0 : i32
    return %arg0, %c0_i32 : i32, i32
  }
}

</mosaic_0001>

<sc_bundles>
// kernel: kernel.11.cloned.1.call-start
scs
__scs_entry_jumppad:
0x0: {  	(pc) =	sbr.rel $0x88, $3  }
0x1: {  	(tag) =	ssettag $0x0;
	lr =	simm.s32 $0x1  }
0x2: {  	[smem:$0x3F99] =	sst lr;
	_ =	strace $0xD0000000  }
0x3: {  	_ = 	snop  }
0x4: {  	_ = 	snop  }
0x5: {  	_ = 	snop  }
0x6: {  	_ = 	snop  }
0x7: {  	_ = 	snop  }
__scs_overlays_trampoline_lowered:
0x8: {  	[smem:$0x3FA8] =	sst s0  }
0x9: {  	[smem:$0x3FA9] =	sst s1  }
0xa: {  	[smem:$0x3FAA] =	sst s2  }
0xb: {  	[smem:$0x3FAB] =	sst s3  }
0xc: {  	[smem:$0x3FAC] =	sst s4  }
0xd: {  	[smem:$0x3FAD] =	sst s5  }
0xe: {  	[smem:$0x3FAE] =	sst s6  }
0xf: {  	[smem:$0x3FAF] =	sst s7  }
0x10: {  	[smem:$0x3FB0] =	sst s8  }
0x11: {  	[smem:$0x3FB1] =	sst s9;
	s0 =	simm.s32 @!p0 $0x0  }
0x12: {  	s1 =	sld [smem:$0x3F97];
	s0 =	simm.s32 @p0 $0x1  }
0x13: {  	[smem:$0x3FB2] =	sst s0;
	s0 =	simm.s32 @!p1 $0x0  }
0x14: {  	s2 =	sld [smem:$0x3F96];
	s0 =	simm.s32 @p1 $0x1  }
0x15: {  	[smem:$0x3FB3] =	sst s0;
	s0 =	simm.s32 @!p2 $0x0  }
0x16: {  	s3 =	sld [smem:$0x3FDB];
	s0 =	simm.s32 @p2 $0x1  }
0x17: {  	s4 =	simm.s32 $0x1BF5;
	[smem:$0x3FB5] =	sst s0  }
0x18: {  	s0 =	sld [smem:$0x3F98];
	_ =	swait.ge [sflag:s4], $0x0  }
0x19: {  	s7 =	sld [smem:$0x3F99]  }
0x1a: {  	s8 =	sadd.s32 $0xFFFFE003, lr  }
0x1b: {  	s9 =	sadd.s32 $0xFFFFFEF7, lr;
	s5 =	simm.s32 $0xFFFFFFFF;
	p2 =	slt.u32 s8, $0xFFFFF086  }
0x1c: {  	p1 =	slt.u32 s9, $0xF7A;
	s5 =	simm.s32 @!p2 $0x0  }
0x1d: {  	s5 =	simm.s32 @p1 $0x1;
	p0 =	seq.s32 s7, s2  }
0x1e: {  	s7 =	smul.u32 @!p0 $0xF7A, s2;
	p2 =	seq.s32 @!p0 s5, $0x0  }
0x1f: {  	s9 =	smul.u32 $0xF7A, s1;
	s8 =	simm.s32 @!p0 $0x1BF5;
	p2 =	por !p2, p0  }
0x20: {  	[sflag:s8] =	ssyncset.s32 @!p0 $0xFFFFF086;
	s6 =	sadd.s32 @!p0 s3, s7;
	s7 =	simm.s32 @!p0 $0x108  }
0x21: {  	s3 =	sadd.s32 s3, s9;
	s6 =	sadd.s32 @!p0 $0x88, s6;
	s7 =	simm.s32 @p2 $0x1082  }
0x22: {  	[simem:s7], [sflag:s8] =	dma.local @!p0 [hbm:s6], $0xF7A  }
0x23: {  	s9 =	sor.u32 $0xD0000000, s2;
	s6 =	simm.s32 $0x108;
	_ =	swait.ge @!p0 [sflag:s8], $0x0  }
0x24: {  	s3 =	sadd.s32 $0x88, s3;
	s6 =	simm.s32 @!p1 $0x1082;
	[sflag:s4] =	ssyncset.s32 $0xFFFFF086  }
0x25: {  	[simem:s6], [sflag:s4] =	dma.local [hbm:s3], $0xF7A  }
0x26: {  	[smem:$0x3F99] =	sst s1;
	(tag) =	ssettag s2;
	_ =	strace s9  }
0x27: {  	s1 =	sld [smem:$0x3FA9]  }
0x28: {  	s2 =	sld [smem:$0x3FAA]  }
0x29: {  	s4 =	sld [smem:$0x3FAC]  }
0x2a: {  	p0 =	seq.s32 s5, $0x0;
	s5 =	sld [smem:$0x3FAD]  }
0x2b: {  	s6 =	sld [smem:$0x3FAE]  }
0x2c: {  	s7 =	sld [smem:$0x3FAF]  }
0x2d: {  	s3 =	simm.s32 $0x108;
	s8 =	sld [smem:$0x3FB0]  }
0x2e: {  	s3 =	simm.s32 @!p0 $0x1082;
	s9 =	sld [smem:$0x3FB1]  }
0x2f: {  	lr =	sadd.s32 s0, s3;
	s0 =	sld [smem:$0x3FA8]  }
0x30: {  	s3 =	sld [smem:$0x3FAB]  }
0x31: {  	[smem:$0x3FB4] =	sst s10  }
0x32: {  	s10 =	sld [smem:$0x3FB2];
	_ =	sdelay $0x3  }
0x33: {  	p0 =	seq.s32 s10, $0x1;
	s10 =	sld [smem:$0x3FB4];
	_ =	sdelay $0x3  }
0x34: {  	[smem:$0x3FB4] =	sst s10  }
0x35: {  	s10 =	sld [smem:$0x3FB3];
	_ =	sdelay $0x3  }
0x36: {  	p1 =	seq.s32 s10, $0x1;
	s10 =	sld [smem:$0x3FB4];
	_ =	sdelay $0x3  }
0x37: {  	[smem:$0x3FB4] =	sst s10  }
0x38: {  	s10 =	sld [smem:$0x3FB5]  }
0x39: {  	_ = 	snop;
	(pc) =	sbr.ind lr, $3  }
0x3a: {  	_ = 	snop  }
0x3b: {  	_ = 	snop  }
0x3c: {  	p2 =	seq.s32 s10, $0x1;
	s10 =	sld [smem:$0x3FB4]  }
0x3d: {  	_ =	shalt  }
0x3e: {  	_ =	shalt  }
0x3f: {  	_ =	shalt  }
0x40: {  	_ =	shalt  }
0x41: {  	_ =	shalt  }
0x42: {  	_ =	shalt  }
0x43: {  	_ =	shalt  }
0x44: {  	_ =	shalt  }
0x45: {  	_ =	shalt  }
0x46: {  	_ =	shalt  }
0x47: {  	_ =	shalt  }
0x48: {  	_ =	shalt  }
0x49: {  	_ =	shalt  }
0x4a: {  	_ =	shalt  }
0x4b: {  	_ =	shalt  }
0x4c: {  	_ =	shalt  }
0x4d: {  	_ =	shalt  }
0x4e: {  	_ =	shalt  }
0x4f: {  	_ =	shalt  }
0x50: {  	_ =	shalt  }
0x51: {  	_ =	shalt  }
0x52: {  	_ =	shalt  }
0x53: {  	_ =	shalt  }
0x54: {  	_ =	shalt  }
0x55: {  	_ =	shalt  }
0x56: {  	_ =	shalt  }
0x57: {  	_ =	shalt  }
0x58: {  	_ =	shalt  }
0x59: {  	_ =	shalt  }
0x5a: {  	_ =	shalt  }
0x5b: {  	_ =	shalt  }
0x5c: {  	_ =	shalt  }
0x5d: {  	_ =	shalt  }
0x5e: {  	_ =	shalt  }
0x5f: {  	_ =	shalt  }
0x60: {  	_ =	shalt  }
0x61: {  	_ =	shalt  }
0x62: {  	_ =	shalt  }
0x63: {  	_ =	shalt  }
0x64: {  	_ =	shalt  }
0x65: {  	_ =	shalt  }
0x66: {  	_ =	shalt  }
0x67: {  	_ =	shalt  }
0x68: {  	_ =	shalt  }
0x69: {  	_ =	shalt  }
0x6a: {  	_ =	shalt  }
0x6b: {  	_ =	shalt  }
0x6c: {  	_ =	shalt  }
0x6d: {  	_ =	shalt  }
0x6e: {  	_ =	shalt  }
0x6f: {  	_ =	shalt  }
0x70: {  	_ =	shalt  }
0x71: {  	_ =	shalt  }
0x72: {  	_ =	shalt  }
0x73: {  	_ =	shalt  }
0x74: {  	_ =	shalt  }
0x75: {  	_ =	shalt  }
0x76: {  	_ =	shalt  }
0x77: {  	_ =	shalt  }
0x78: {  	_ =	shalt  }
0x79: {  	_ =	shalt  }
0x7a: {  	_ =	shalt  }
0x7b: {  	_ =	shalt  }
0x7c: {  	_ =	shalt  }
0x7d: {  	_ =	shalt  }
0x7e: {  	_ =	shalt  }
0x7f: {  	_ =	shalt  }
0x80: {  	_ =	shalt  }
0x81: {  	_ =	shalt  }
0x82: {  	_ =	shalt  }
0x83: {  	_ =	shalt  }
0x84: {  	_ =	shalt  }
0x85: {  	_ =	shalt  }
0x86: {  	_ =	shalt  }
0x87: {  	_ =	shalt  }
.Lfunc_end0:
.L_simem_size_0:
called_computation.1_lowered:
.L_overlay_start_0:
0x88: {  	s2 =	sld [smem:$0x3FD9]  }
0x89: {  	s3 =	sld [smem:$0x3FFE];
	_ =	sdelay $0x1  }
0x8a: {  	s1 =	srdreg.scid  }
0x8b: {  	s0 =	sand.u32 $0x1, s1  }
0x8c: {  	s17 =	sshll.u32 s0, $0xA;
	s2 =	sadd.s32 s3, s2  }
0x8d: {  	s2 =	sadd.s32 s2, s17  }
0x8e: {  	[smem:$0x3FC0] =	sst s2  }
0x8f: {  	_ = 	snop  }
0x90: {  	(tm) =	ssettm $0x1  }
0x91: {  	s18 =	sld [smem:$0x3FFB];
	_ =	sdelay $0x3  }
0x92: {  	_ =	strace s18  }
0x93: {  	s2 =	sld [smem:$0x3FFC];
	_ =	sdelay $0x3  }
0x94: {  	_ =	strace s2  }
0x95: {  	s2 =	sld [smem:$0x3FFD];
	_ =	sdelay $0x3  }
0x96: {  	_ =	strace s2  }
0x97: {  	_ =	strace $0x8FFFFFFF  }
0x98: {  	s19 =	sld [smem:$0x3FDB];
	_ =	sdelay $0x1  }
0x99: {  	s20 =	simm.s32 $_scs_section_size  }
0x9a: {  	s4 =	simm.s32 $_size__tile_overlayer_lowered;
	s5 =	simm.s32 $_tile_overlayer_lowered  }
0x9b: {  	s6 =	simm.s32 $0x1BFF;
	s21 =	sshll.u32 s5, $0x1;
	s3 =	sadd.s32 s20, s19  }
0x9c: {  	s22 =	simm.s32 $0x0;
	s4 =	sshll.u32 s4, $0x1;
	s5 =	sadd.s32 s21, s3  }
0x9d: {  	[timem:s22], [sflag:s6] =	dma.local [hbm:s5], s4  }
0x9e: {  	_ =	swait.ge [sflag:s6], s4  }
0x9f: {  	s4 =	ssub.s32 $0x0, s4;
	[sflag:s6] =	ssyncset.done $0x0  }
0xa0: {  	[sflag:s6] =	ssyncadd.s32 s4;
	_ =	sdelay $0x1  }
0xa1: {  	s23 =	simm.s32 $0x1B8B  }
0xa2: {  	_ =	swait.ge [sflag:s23], $0x1  }
0xa3: {  	[sflag:s23] =	ssyncset.done $0x0  }
0xa4: {  	[sflag:s23] =	ssyncadd.s32 $0xFFFFFFFF  }
0xa5: {  	s4 =	sld [smem:$0x0]  }
0xa6: {  	s5 =	sand.u32 $0xFFFFFFFE, s1  }
0xa7: {  	p0 =	sne.s32 s1, s5  }
0xa8: {  	s5 =	sshll.u32 @p0 s5, $0xE  }
0xa9: {  	s5 =	sadd.s32 @p0 $0x11B8D, s5;
	s6 =	sshll.u32 @p0 s4, $0x11  }
0xaa: {  	s5 =	sor.u32 @p0 s6, s5  }
0xab: {  	[sflag:s5] =	ssyncadd.remote.s32 @p0 $0x1;
	_ =	sdelay $0x1  }
0xac: {  	s5 =	simm.s32 @p0 $0x1B8D  }
0xad: {  	_ =	swait.eq @p0 [sflag:s5], $0x1  }
0xae: {  	[sflag:s5] =	ssyncadd.s32 @p0 $0xFFFFFFFF  }
0xaf: {  	s6 =	sshll.u32 @!p0 s1, $0xE  }
0xb0: {  	s6 =	sor.u32 @!p0 $0x4000, s6;
	s5 =	simm.s32 @!p0 $0x1B8D  }
0xb1: {  	s4 =	sshll.u32 @!p0 s4, $0x11;
	s6 =	sadd.s32 @!p0 $0x11B8D, s6;
	_ =	swait.eq @!p0 [sflag:s5], $0x1  }
0xb2: {  	s4 =	sor.u32 @!p0 s4, s6;
	[sflag:s5] =	ssyncadd.s32 @!p0 $0xFFFFFFFF  }
0xb3: {  	s25 =	simm.s32 $0x1B8E;
	s24 =	sld [smem:$0x3FFE];
	[sflag:s4] =	ssyncadd.remote.s32 @!p0 $0x1  }
0xb4: {  	s26 =	simm.s32 $execute0_lowered;
	[smem:$0x3FD2] =	sst s25  }
0xb5: {  	s5 =	sshll.u32 s26, $0x1;
	_ =	strace $0x80000049;
	[dreg:$0x1] =	wrdreg $0xFFFFFFFF  }
0xb6: {  	s28 =	simm.s32 $_size_execute0_lowered;
	s3 =	sadd.s32 s3, s5;
	[dreg:$0x0] =	wrdreg $0x0  }
0xb7: {  	s5 =	sshll.u32 s28, $0x1;
	[dreg:$0x2] =	wrdreg s3  }
0xb8: {  	[dreg:$0x3] =	wrdreg s5  }
0xb9: {  	[dreg:$0x4] =	wrdreg $0xC0  }
0xba: {  	_ =	task [dreg:s22], $0x5FFFF  }
0xbb: {  	[dreg:$0x1] =	wrdreg $0xFFFFFFFF  }
0xbc: {  	[dreg:$0x0] =	wrdreg $0x60  }
0xbd: {  	[dreg:$0x2] =	wrdreg s24  }
0xbe: {  	[dreg:$0x3] =	wrdreg $0x41000  }
0xbf: {  	[dreg:$0x4] =	wrdreg $0x9  }
0xc0: {  	_ =	task.clear_ibuf [dreg:s22], $0x5FFFF;
	_ =	strace $0x90000049  }
0xc1: {  	s29 =	simm.s32 $0x9;
	_ =	strace $0x8000004B  }
0xc2: {  	_ =	swait.ge [sflag:s29], $0x1  }
0xc3: {  	[sflag:s29] =	ssyncadd.s32 $0xFFFFFFFF  }
0xc4: {  	_ =	strace $0x9000004B  }
0xc5: {  	_ =	sfence  }
0xc6: {  	s30 =	sld [smem:$0x0];
	_ =	sdelay $0x2  }
0xc7: {  	s31 =	sshll.u32 s1, $0xD;
	s1 =	sshrl.u32 s1, $0x2  }
0xc8: {  	s4 =	sand.u32 $0x4000, s31;
	s1 =	sadd.s32 s1, s30  }
0xc9: {  	s0 =	sor.u32 s4, s0;
	s1 =	sshll.u32 s1, $0x11  }
0xca: {  	s0 =	sor.u32 s1, s0  }
0xcb: {  	s0 =	sadd.s32 $0x8F2B, s0  }
0xcc: {  	[sflag:s0] =	ssyncadd.remote.s32 $0x1  }
0xcd: {  	_ =	sfence.sel $0xFFFF  }
0xce: {  	[dreg:$0x0] =	wrdreg $0xFFFFFFFF;
	(pc) =	sbr.abs _section_cstart, $3  }
0xcf: {  	[dreg:$0x1] =	wrdreg $0xFFFFFFFF  }
0xd0: {  	_ =	task.clear_ibuf [dreg:s22], $0x2FFFF;
	_ =	strace $0x9FFFFFFF  }
0xd1: {  	(tm) =	ssettm $0x7FFFFFFF  }
tec
execute0_lowered:
.L_overlay_start_1:
0x0: {  	(tag) =	ssettag $0x1  }
0x1: {  	s6 =	rddreg [dreg:$0x0]  }
0x2: {  	s1 =	rddreg [dreg:$0x1];
	s2 =	srdreg.scid  }
0x3: {  	s0 =	rddreg [dreg:$0x2];
	s3 =	simm.s32 $0x0;
	s17 =	simm.s32 $0x1  }
0x4: {  	s18 =	simm.s32 $0x3;
	s10 =	sand.u32 $0x1, s2;
	s12 =	sadd.s32 $0x50D200, s6  }
0x5: {  	s2 =	stileid.u32;
	s4 =	sadd.s32 $0x517200, s6;
	s7 =	smul.u32 $0x140000, s10  }
0x6: {  	[smem:$0x7FF] =	sst s3;
	s5 =	sadd.s32 $0x519A00, s6;
	s8 =	smul.u32 $0x14000, s2  }
0x7: {  	_ =	strace $0x8000004A;
	s24 =	ssub.s32 $0x2, s10;
	s9 =	smul.u32 $0x50000, s2  }
0x8: {  	s11 =	sshll.u32 s2, $0x1;
	s28 =	sshll.u32 s2, $0x6;
	s14 =	sshll.u32 s2, $0x5  }
0x9: {  	s15 =	sshll.u32 s10, $0x4;
	s16 =	sshll.u32 s2, $0x8;
	s25 =	sshrl.u32 s24, $0x1  }
0xa: {  	s11 =	sor.u32 s10, s11;
	s14 =	sadd.s32 s14, s12;
	s10 =	sshll.u32 s10, $0x7  }
0xb: {  	s7 =	sadd.s32 s8, s7;
	s8 =	ssub.s32 s24, s25;
	s26 =	sshrl.u32 s9, $0x2  }
0xc: {  	s29 =	sshll.u32 s11, $0x7;
	s11 =	sshll.u32 s11, $0x4;
	s14 =	sadd.s32 s15, s14  }
0xd: {  	s30 =	sor.u32 s10, s16;
	s15 =	simm.s32 $0x100;
	s16 =	simm.s32 $0x80  }
0xe: {  	s7 =	sshrl.u32 s7, $0x3;
	s13 =	sadd.s32 s26, s1;
	s19 =	sor.u32 $0x4E000, s29  }
0xf: {  	s8 =	smax.u32 s8, $0x1;
	s11 =	sadd.s32 s11, s12;
	s31 =	sshrl.u32 s30, $0x3  }
0x10: {  	s7 =	sadd.s32 s7, s6;
	s6 =	sor.u32 $0x1C02, s28;
	s9 =	sshrl.u32 s19, $0x3  }
0x11: {  	s10 =	sadd.s32 $0x9E00, s11;
	s11 =	sadd.s32 $0x200, s14;
	s13 =	sshrl.u32 s13, $0x3  }
0x12: {  	s14 =	simm.s32 $0x2;
	p0 =	sgt.u32 s19, $0x4E1FF;
	s19 =	simm.s32 $0x0  }
0x13: {  	s7 =	sadd.s32 $0x51A200, s7;
	s9 =	sadd.s32 s12, s9;
	s12 =	sadd.s32 s31, s12  }
.LBB2_1:
0x14: {  	[spmem:s13], [sflag:s6] =	dma.local [hbm:s4], $0x2800  }
0x15: {  	_ =	swait.ge [sflag:s14], $0x2800  }
0x16: {  	[sflag:s14] =	ssyncset.done $0x0  }
0x17: {  	[sflag:s14] =	ssyncadd.s32 $0xFFFFD800  }
0x18: {  	[tilespmem:s15], [sflag:$0x2] =	stream.linear.gather [hbm4b:s5+s3], $0x4000, $0x38;
	[tilespmem:$0x18100] =	vst v63  }
0x19: {  	_ =	swait.ge [sflag:s14], $0x4000  }
0x1a: {  	[sflag:s14] =	ssyncset.done $0x0  }
0x1b: {  	[sflag:s14] =	ssyncadd.s32 $0xFFFFC000  }
0x1c: {  	s20 =	sadd.s32 $0x0, s12;
	[bflag:$0x0] =	sbarrier.arrive $0xFFFF  }
0x1d: {  	[tilespmem:s3], [sflag:$0x1] =	stream.linear.gather [hbm4b:s20+s3], $0x80, $0x38;
	[tilespmem:$0x18100] =	vst v63  }
0x1e: {  	s31 =	sadd.s32 $0x0, s11  }
0x1f: {  	[tilespmem:s16], [sflag:$0x1] =	stream.linear.gather [hbm4b:s31+s3], $0x80, $0x38;
	[tilespmem:$0x18100] =	vst v63  }
0x20: {  	_ =	swait.ge [sflag:s17], $0x80  }
0x21: {  	[sflag:s17] =	ssyncset.done $0x0  }
0x22: {  	[sflag:s17] =	ssyncadd.s32 $0xFFFFFF80  }
0x23: {  	[spmem:s1] =	stream.indirect.scatter.add.f32 [tilespmem:s15], [sflag:$0x3], $0x80, s3, s16, $0xb8;
	[tilespmem:$0x18100] =	vst v63  }
0x24: {  	_ =	swait.ge [sflag:s18], $0x4000  }
0x25: {  	[sflag:s18] =	ssyncset.done $0x0  }
0x26: {  	[sflag:s18] =	ssyncadd.s32 $0xFFFFC000  }
0x27: {  	_ =	swait.ge [sflag:s17], $0x80  }
0x28: {  	[sflag:s17] =	ssyncset.done $0x0  }
0x29: {  	[sflag:s17] =	ssyncadd.s32 $0xFFFFFF80  }
0x2a: {  	[spmem:s1] =	stream.indirect.scatter.add.f32 [tilespmem:s15], [sflag:$0x2], $0x80, s16, s16, $0xb8;
	[tilespmem:$0x18100] =	vst v63  }
0x2b: {  	_ =	swait.ge [sflag:s14], $0x4000  }
0x2c: {  	s21 =	simm.s32 $0x800;
	s20 =	simm.s32 $0x400;
	[sflag:s14] =	ssyncset.done $0x0  }
.LBB2_2:
0x2d: {  	s22 =	sadd.s32 s20, s12  }
0x2e: {  	[sflag:s14] =	ssyncadd.s32 $0xFFFFC000;
	s23 =	smov.u32 s21;
	s24 =	sadd.s32 $0x400, s21  }
0x2f: {  	[tilespmem:s3], [sflag:$0x1] =	stream.linear.gather [hbm4b:s22+s3], $0x80, $0x38;
	[tilespmem:$0x18100] =	vst v63  }
0x30: {  	p1 =	sne.s32 s21, $0x9800;
	s21 =	sadd.s32 s20, s11;
	s20 =	smov.u32 s23  }
0x31: {  	[tilespmem:s16], [sflag:$0x1] =	stream.linear.gather [hbm4b:s21+s3], $0x80, $0x38;
	[tilespmem:$0x18100] =	vst v63  }
0x32: {  	_ =	swait.ge [sflag:s17], $0x80  }
0x33: {  	[sflag:s17] =	ssyncset.done $0x0  }
0x34: {  	[sflag:s17] =	ssyncadd.s32 $0xFFFFFF80  }
0x35: {  	[spmem:s1] =	stream.indirect.scatter.add.f32 [tilespmem:s15], [sflag:$0x3], $0x80, s3, s16, $0xb8;
	[tilespmem:$0x18100] =	vst v63  }
0x36: {  	_ =	swait.ge [sflag:s18], $0x4000  }
0x37: {  	[sflag:s18] =	ssyncset.done $0x0  }
0x38: {  	[sflag:s18] =	ssyncadd.s32 $0xFFFFC000  }
0x39: {  	_ =	swait.ge [sflag:s17], $0x80  }
.Ltmp0:
0x3a: {  	[sflag:s17] =	ssyncset.done $0x0;
	(pc) =	sbr.rel @p1 .LBB2_2-.Ltmp0, $4  }
0x3b: {  	[sflag:s17] =	ssyncadd.s32 $0xFFFFFF80  }
0x3c: {  	[spmem:s1] =	stream.indirect.scatter.add.f32 [tilespmem:s15], [sflag:$0x2], $0x80, s16, s16, $0xb8;
	[tilespmem:$0x18100] =	vst v63  }
0x3d: {  	_ =	swait.ge [sflag:s14], $0x4000  }
0x3e: {  	s21 =	smov.u32 s24;
	[sflag:s14] =	ssyncset.done $0x0  }
0x3f: {  	s21 =	sadd.s32 s20, s12;
	[sflag:s14] =	ssyncadd.s32 $0xFFFFC000  }
0x40: {  	[tilespmem:s3], [sflag:$0x1] =	stream.linear.gather [hbm4b:s21+s3], $0x80, $0x38;
	[tilespmem:$0x18100] =	vst v63  }
0x41: {  	s31 =	sadd.s32 s20, s11  }
0x42: {  	[tilespmem:s16], [sflag:$0x1] =	stream.linear.gather [hbm4b:s31+s3], $0x80, $0x38;
	[tilespmem:$0x18100] =	vst v63  }
0x43: {  	_ =	swait.ge [sflag:s17], $0x80  }
0x44: {  	[sflag:s17] =	ssyncset.done $0x0  }
0x45: {  	[sflag:s17] =	ssyncadd.s32 $0xFFFFFF80  }
0x46: {  	[spmem:s1] =	stream.indirect.scatter.add.f32 [tilespmem:s15], [sflag:$0x3], $0x80, s3, s16, $0xb8;
	[tilespmem:$0x18100] =	vst v63  }
0x47: {  	_ =	swait.ge [sflag:s18], $0x4000  }
0x48: {  	[sflag:s18] =	ssyncset.done $0x0  }
0x49: {  	[sflag:s18] =	ssyncadd.s32 $0xFFFFC000  }
0x4a: {  	_ =	swait.ge [sflag:s17], $0x80  }
0x4b: {  	[sflag:s17] =	ssyncset.done $0x0  }
0x4c: {  	[sflag:s17] =	ssyncadd.s32 $0xFFFFFF80  }
0x4d: {  	[spmem:s1] =	stream.indirect.scatter.add.f32 [tilespmem:s15], [sflag:$0x2], $0x80, s16, s16, $0xb8;
	[tilespmem:$0x18100] =	vst v63  }
0x4e: {  	_ =	swait.ge [sflag:s14], $0x4000  }
0x4f: {  	[sflag:s14] =	ssyncset.done $0x0  }
0x50: {  	[sflag:s14] =	ssyncadd.s32 $0xFFFFC000  }
0x51: {  	[tilespmem:s3], [sflag:$0x1] =	stream.linear.gather [hbm4b:s9+s3], $0x80, $0x38;
	[tilespmem:$0x18100] =	vst v63  }
0x52: {  	_ = 	snop  }
0x53: {  	[tilespmem:s16], [sflag:$0x1] =	stream.linear.gather [hbm4b:s10+s3], $0x80, $0x38;
	[tilespmem:$0x18100] =	vst v63  }
0x54: {  	_ =	swait.ge [sflag:s17], $0x80  }
0x55: {  	s20 =	simm.s32 @!p0 $0x80;
	[sflag:s17] =	ssyncset.done $0x0  }
0x56: {  	s22 =	simm.s32 @!p0 $0x100;
	s21 =	simm.s32 @!p0 $0x0;
	[sflag:s17] =	ssyncadd.s32 $0xFFFFFF80  }
0x57: {  	[spmem:s1] =	stream.indirect.scatter.add.f32 @!p0 [tilespmem:s22], [sflag:$0x3], $0x80, s21, s20, $0xb8;
	[tilespmem:$0x18100] =	vst v63  }
0x58: {  	s20 =	simm.s32 @!p0 $0x3  }
0x59: {  	_ =	swait.ge @!p0 [sflag:s20], $0x4000  }
0x5a: {  	[sflag:s20] =	ssyncset.done @!p0 $0x0  }
0x5b: {  	[sflag:s20] =	ssyncadd.s32 @!p0 $0xFFFFC000  }
0x5c: {  	_ =	swait.ge [sflag:s17], $0x80  }
0x5d: {  	s19 =	sadd.s32 $0x1, s19;
	[sflag:s17] =	ssyncset.done $0x0  }
0x5e: {  	p1 =	sne.s32 s19, s8;
	[sflag:s17] =	ssyncadd.s32 $0xFFFFFF80  }
.Ltmp1:
0x5f: {  	[bflag:$0x0] =	sbarrier.arrive $0xFFFF;
	(pc) =	sbr.rel @p1 .LBB2_1-.Ltmp1, $4  }
0x60: {  	[hbm:s7], [sflag:s6] =	dma.local [spmem:s13], $0x2800  }
0x61: {  	_ =	swait.ge [sflag:s14], $0x2800  }
0x62: {  	[sflag:s14] =	ssyncset.done $0x0  }
0x63: {  	[sflag:s14] =	ssyncadd.s32 $0xFFFFD800  }
0x64: {  	_ =	sfence.sel $0x180000  }
0x65: {  	[bflag:$0x0] =	sbarrier.arrive $0xFFFF  }
0x66: {  	p0 =	sne.s32 s2, $0x0;
	_ =	strace $0x9000004A  }
0x67: {  	s0 =	sadd.s32 @!p0 $0x100000, s0;
	[bflag:$0x2] =	sbarrier.arrive $0xFFFF  }
0x68: {  	[sflag:s0] =	ssyncadd.tile.s32 @!p0 $0x1;
	_ =	shalt  }
.Lfunc_end2:
_tile_overlayer_lowered:
.L_overlay_start_2:
0x69: {  	(tag) =	ssettag $0x2  }
0x6a: {  	s0 =	rddreg [dreg:$0x0];
	s2 =	stileid.u32  }
0x6b: {  	s1 =	rddreg [dreg:$0x1];
	p0 =	sne.s32 s2, $0x0  }
0x6c: {  	s3 =	rddreg [dreg:$0x2];
	[bflag:$0x3] =	sbarrier.arrive $0xFFFF;
	s2 =	simm.s32 @!p0 $0x1C02  }
0x6d: {  	[timem:s3], [sflag:s2] =	dma.local @!p0 [hbm:s0], s1  }
0x6e: {  	s0 =	simm.s32 @!p0 $0x2  }
0x6f: {  	_ =	swait.ge @!p0 [sflag:s0], s1  }
0x70: {  	s1 =	ssub.s32 @!p0 $0x0, s1;
	[sflag:s0] =	ssyncset.done @!p0 $0x0  }
0x71: {  	[sflag:s0] =	ssyncadd.s32 @!p0 s1  }
0x72: {  	[bflag:$0x3] =	sbarrier.arrive $0xFFFF  }
0x73: {  	_ =	shalt  }

// kernel: kernel.14.cloned.1.call-start
scs
__scs_entry_jumppad:
0x0: {  	(pc) =	sbr.rel $0x88, $3  }
0x1: {  	(tag) =	ssettag $0x0;
	lr =	simm.s32 $0x1  }
0x2: {  	[smem:$0x3F99] =	sst lr;
	_ =	strace $0xD0000000  }
0x3: {  	_ = 	snop  }
0x4: {  	_ = 	snop  }
0x5: {  	_ = 	snop  }
0x6: {  	_ = 	snop  }
0x7: {  	_ = 	snop  }
__scs_overlays_trampoline_lowered:
0x8: {  	[smem:$0x3FA8] =	sst s0  }
0x9: {  	[smem:$0x3FA9] =	sst s1  }
0xa: {  	[smem:$0x3FAA] =	sst s2  }
0xb: {  	[smem:$0x3FAB] =	sst s3  }
0xc: {  	[smem:$0x3FAC] =	sst s4  }
0xd: {  	[smem:$0x3FAD] =	sst s5  }
0xe: {  	[smem:$0x3FAE] =	sst s6  }
0xf: {  	[smem:$0x3FAF] =	sst s7  }
0x10: {  	[smem:$0x3FB0] =	sst s8  }
0x11: {  	[smem:$0x3FB1] =	sst s9;
	s0 =	simm.s32 @!p0 $0x0  }
0x12: {  	s1 =	sld [smem:$0x3F97];
	s0 =	simm.s32 @p0 $0x1  }
0x13: {  	[smem:$0x3FB2] =	sst s0;
	s0 =	simm.s32 @!p1 $0x0  }
0x14: {  	s2 =	sld [smem:$0x3F96];
	s0 =	simm.s32 @p1 $0x1  }
0x15: {  	[smem:$0x3FB3] =	sst s0;
	s0 =	simm.s32 @!p2 $0x0  }
0x16: {  	s3 =	sld [smem:$0x3FDB];
	s0 =	simm.s32 @p2 $0x1  }
0x17: {  	s4 =	simm.s32 $0x1BF5;
	[smem:$0x3FB5] =	sst s0  }
0x18: {  	s0 =	sld [smem:$0x3F98];
	_ =	swait.ge [sflag:s4], $0x0  }
0x19: {  	s7 =	sld [smem:$0x3F99]  }
0x1a: {  	s8 =	sadd.s32 $0xFFFFE003, lr  }
0x1b: {  	s9 =	sadd.s32 $0xFFFFFEF7, lr;
	s5 =	simm.s32 $0xFFFFFFFF;
	p2 =	slt.u32 s8, $0xFFFFF086  }
0x1c: {  	p1 =	slt.u32 s9, $0xF7A;
	s5 =	simm.s32 @!p2 $0x0  }
0x1d: {  	s5 =	simm.s32 @p1 $0x1;
	p0 =	seq.s32 s7, s2  }
0x1e: {  	s7 =	smul.u32 @!p0 $0xF7A, s2;
	p2 =	seq.s32 @!p0 s5, $0x0  }
0x1f: {  	s9 =	smul.u32 $0xF7A, s1;
	s8 =	simm.s32 @!p0 $0x1BF5;
	p2 =	por !p2, p0  }
0x20: {  	[sflag:s8] =	ssyncset.s32 @!p0 $0xFFFFF086;
	s6 =	sadd.s32 @!p0 s3, s7;
	s7 =	simm.s32 @!p0 $0x108  }
0x21: {  	s3 =	sadd.s32 s3, s9;
	s6 =	sadd.s32 @!p0 $0x88, s6;
	s7 =	simm.s32 @p2 $0x1082  }
0x22: {  	[simem:s7], [sflag:s8] =	dma.local @!p0 [hbm:s6], $0xF7A  }
0x23: {  	s9 =	sor.u32 $0xD0000000, s2;
	s6 =	simm.s32 $0x108;
	_ =	swait.ge @!p0 [sflag:s8], $0x0  }
0x24: {  	s3 =	sadd.s32 $0x88, s3;
	s6 =	simm.s32 @!p1 $0x1082;
	[sflag:s4] =	ssyncset.s32 $0xFFFFF086  }
0x25: {  	[simem:s6], [sflag:s4] =	dma.local [hbm:s3], $0xF7A  }
0x26: {  	[smem:$0x3F99] =	sst s1;
	(tag) =	ssettag s2;
	_ =	strace s9  }
0x27: {  	s1 =	sld [smem:$0x3FA9]  }
0x28: {  	s2 =	sld [smem:$0x3FAA]  }
0x29: {  	s4 =	sld [smem:$0x3FAC]  }
0x2a: {  	p0 =	seq.s32 s5, $0x0;
	s5 =	sld [smem:$0x3FAD]  }
0x2b: {  	s6 =	sld [smem:$0x3FAE]  }
0x2c: {  	s7 =	sld [smem:$0x3FAF]  }
0x2d: {  	s3 =	simm.s32 $0x108;
	s8 =	sld [smem:$0x3FB0]  }
0x2e: {  	s3 =	simm.s32 @!p0 $0x1082;
	s9 =	sld [smem:$0x3FB1]  }
0x2f: {  	lr =	sadd.s32 s0, s3;
	s0 =	sld [smem:$0x3FA8]  }
0x30: {  	s3 =	sld [smem:$0x3FAB]  }
0x31: {  	[smem:$0x3FB4] =	sst s10  }
0x32: {  	s10 =	sld [smem:$0x3FB2];
	_ =	sdelay $0x3  }
0x33: {  	p0 =	seq.s32 s10, $0x1;
	s10 =	sld [smem:$0x3FB4];
	_ =	sdelay $0x3  }
0x34: {  	[smem:$0x3FB4] =	sst s10  }
0x35: {  	s10 =	sld [smem:$0x3FB3];
	_ =	sdelay $0x3  }
0x36: {  	p1 =	seq.s32 s10, $0x1;
	s10 =	sld [smem:$0x3FB4];
	_ =	sdelay $0x3  }
0x37: {  	[smem:$0x3FB4] =	sst s10  }
0x38: {  	s10 =	sld [smem:$0x3FB5]  }
0x39: {  	_ = 	snop;
	(pc) =	sbr.ind lr, $3  }
0x3a: {  	_ = 	snop  }
0x3b: {  	_ = 	snop  }
0x3c: {  	p2 =	seq.s32 s10, $0x1;
	s10 =	sld [smem:$0x3FB4]  }
0x3d: {  	_ =	shalt  }
0x3e: {  	_ =	shalt  }
0x3f: {  	_ =	shalt  }
0x40: {  	_ =	shalt  }
0x41: {  	_ =	shalt  }
0x42: {  	_ =	shalt  }
0x43: {  	_ =	shalt  }
0x44: {  	_ =	shalt  }
0x45: {  	_ =	shalt  }
0x46: {  	_ =	shalt  }
0x47: {  	_ =	shalt  }
0x48: {  	_ =	shalt  }
0x49: {  	_ =	shalt  }
0x4a: {  	_ =	shalt  }
0x4b: {  	_ =	shalt  }
0x4c: {  	_ =	shalt  }
0x4d: {  	_ =	shalt  }
0x4e: {  	_ =	shalt  }
0x4f: {  	_ =	shalt  }
0x50: {  	_ =	shalt  }
0x51: {  	_ =	shalt  }
0x52: {  	_ =	shalt  }
0x53: {  	_ =	shalt  }
0x54: {  	_ =	shalt  }
0x55: {  	_ =	shalt  }
0x56: {  	_ =	shalt  }
0x57: {  	_ =	shalt  }
0x58: {  	_ =	shalt  }
0x59: {  	_ =	shalt  }
0x5a: {  	_ =	shalt  }
0x5b: {  	_ =	shalt  }
0x5c: {  	_ =	shalt  }
0x5d: {  	_ =	shalt  }
0x5e: {  	_ =	shalt  }
0x5f: {  	_ =	shalt  }
0x60: {  	_ =	shalt  }
0x61: {  	_ =	shalt  }
0x62: {  	_ =	shalt  }
0x63: {  	_ =	shalt  }
0x64: {  	_ =	shalt  }
0x65: {  	_ =	shalt  }
0x66: {  	_ =	shalt  }
0x67: {  	_ =	shalt  }
0x68: {  	_ =	shalt  }
0x69: {  	_ =	shalt  }
0x6a: {  	_ =	shalt  }
0x6b: {  	_ =	shalt  }
0x6c: {  	_ =	shalt  }
0x6d: {  	_ =	shalt  }
0x6e: {  	_ =	shalt  }
0x6f: {  	_ =	shalt  }
0x70: {  	_ =	shalt  }
0x71: {  	_ =	shalt  }
0x72: {  	_ =	shalt  }
0x73: {  	_ =	shalt  }
0x74: {  	_ =	shalt  }
0x75: {  	_ =	shalt  }
0x76: {  	_ =	shalt  }
0x77: {  	_ =	shalt  }
0x78: {  	_ =	shalt  }
0x79: {  	_ =	shalt  }
0x7a: {  	_ =	shalt  }
0x7b: {  	_ =	shalt  }
0x7c: {  	_ =	shalt  }
0x7d: {  	_ =	shalt  }
0x7e: {  	_ =	shalt  }
0x7f: {  	_ =	shalt  }
0x80: {  	_ =	shalt  }
0x81: {  	_ =	shalt  }
0x82: {  	_ =	shalt  }
0x83: {  	_ =	shalt  }
0x84: {  	_ =	shalt  }
0x85: {  	_ =	shalt  }
0x86: {  	_ =	shalt  }
0x87: {  	_ =	shalt  }
.Lfunc_end0:
.L_simem_size_0:
called_computation.2_lowered:
.L_overlay_start_0:
0x88: {  	s2 =	sld [smem:$0x3FD9]  }
0x89: {  	s3 =	sld [smem:$0x3FFE];
	_ =	sdelay $0x1  }
0x8a: {  	s1 =	srdreg.scid  }
0x8b: {  	s0 =	sand.u32 $0x1, s1  }
0x8c: {  	s17 =	sshll.u32 s0, $0xA;
	s2 =	sadd.s32 s3, s2  }
0x8d: {  	s2 =	sadd.s32 s2, s17  }
0x8e: {  	[smem:$0x3FC0] =	sst s2  }
0x8f: {  	_ = 	snop  }
0x90: {  	(tm) =	ssettm $0x1  }
0x91: {  	s18 =	sld [smem:$0x3FFB];
	_ =	sdelay $0x3  }
0x92: {  	_ =	strace s18  }
0x93: {  	s2 =	sld [smem:$0x3FFC];
	_ =	sdelay $0x3  }
0x94: {  	_ =	strace s2  }
0x95: {  	s2 =	sld [smem:$0x3FFD];
	_ =	sdelay $0x3  }
0x96: {  	_ =	strace s2  }
0x97: {  	_ =	strace $0x8FFFFFFF  }
0x98: {  	s19 =	sld [smem:$0x3FDB];
	_ =	sdelay $0x1  }
0x99: {  	s20 =	simm.s32 $_scs_section_size  }
0x9a: {  	s4 =	simm.s32 $_size__tile_overlayer_lowered;
	s5 =	simm.s32 $_tile_overlayer_lowered  }
0x9b: {  	s6 =	simm.s32 $0x1BFF;
	s21 =	sshll.u32 s5, $0x1;
	s3 =	sadd.s32 s20, s19  }
0x9c: {  	s22 =	simm.s32 $0x0;
	s4 =	sshll.u32 s4, $0x1;
	s5 =	sadd.s32 s21, s3  }
0x9d: {  	[timem:s22], [sflag:s6] =	dma.local [hbm:s5], s4  }
0x9e: {  	_ =	swait.ge [sflag:s6], s4  }
0x9f: {  	s4 =	ssub.s32 $0x0, s4;
	[sflag:s6] =	ssyncset.done $0x0  }
0xa0: {  	[sflag:s6] =	ssyncadd.s32 s4;
	_ =	sdelay $0x1  }
0xa1: {  	s23 =	simm.s32 $0x1B8B  }
0xa2: {  	_ =	swait.ge [sflag:s23], $0x1  }
0xa3: {  	[sflag:s23] =	ssyncset.done $0x0  }
0xa4: {  	[sflag:s23] =	ssyncadd.s32 $0xFFFFFFFF  }
0xa5: {  	s4 =	sld [smem:$0x0]  }
0xa6: {  	s5 =	sand.u32 $0xFFFFFFFE, s1  }
0xa7: {  	p0 =	sne.s32 s1, s5  }
0xa8: {  	s5 =	sshll.u32 @p0 s5, $0xE  }
0xa9: {  	s5 =	sadd.s32 @p0 $0x11B8D, s5;
	s6 =	sshll.u32 @p0 s4, $0x11  }
0xaa: {  	s5 =	sor.u32 @p0 s6, s5  }
0xab: {  	[sflag:s5] =	ssyncadd.remote.s32 @p0 $0x1;
	_ =	sdelay $0x1  }
0xac: {  	s5 =	simm.s32 @p0 $0x1B8D  }
0xad: {  	_ =	swait.eq @p0 [sflag:s5], $0x1  }
0xae: {  	[sflag:s5] =	ssyncadd.s32 @p0 $0xFFFFFFFF  }
0xaf: {  	s6 =	sshll.u32 @!p0 s1, $0xE  }
0xb0: {  	s6 =	sor.u32 @!p0 $0x4000, s6;
	s5 =	simm.s32 @!p0 $0x1B8D  }
0xb1: {  	s4 =	sshll.u32 @!p0 s4, $0x11;
	s6 =	sadd.s32 @!p0 $0x11B8D, s6;
	_ =	swait.eq @!p0 [sflag:s5], $0x1  }
0xb2: {  	s4 =	sor.u32 @!p0 s4, s6;
	[sflag:s5] =	ssyncadd.s32 @!p0 $0xFFFFFFFF  }
0xb3: {  	s25 =	simm.s32 $0x1B8E;
	s24 =	sld [smem:$0x3FFE];
	[sflag:s4] =	ssyncadd.remote.s32 @!p0 $0x1  }
0xb4: {  	s26 =	simm.s32 $execute0_lowered;
	[smem:$0x3FD2] =	sst s25  }
0xb5: {  	s5 =	sshll.u32 s26, $0x1;
	_ =	strace $0x8000004C;
	[dreg:$0x1] =	wrdreg $0xFFFFFFFF  }
0xb6: {  	s28 =	simm.s32 $_size_execute0_lowered;
	s3 =	sadd.s32 s3, s5;
	[dreg:$0x0] =	wrdreg $0x0  }
0xb7: {  	s5 =	sshll.u32 s28, $0x1;
	[dreg:$0x2] =	wrdreg s3  }
0xb8: {  	[dreg:$0x3] =	wrdreg s5  }
0xb9: {  	[dreg:$0x4] =	wrdreg $0xC0  }
0xba: {  	_ =	task [dreg:s22], $0x5FFFF  }
0xbb: {  	[dreg:$0x1] =	wrdreg $0xFFFFFFFF  }
0xbc: {  	[dreg:$0x0] =	wrdreg $0x60  }
0xbd: {  	[dreg:$0x2] =	wrdreg s24  }
0xbe: {  	[dreg:$0x3] =	wrdreg $0x81000  }
0xbf: {  	[dreg:$0x4] =	wrdreg $0xA  }
0xc0: {  	_ =	task.clear_ibuf [dreg:s22], $0x5FFFF;
	_ =	strace $0x9000004C  }
0xc1: {  	s29 =	simm.s32 $0xA;
	_ =	strace $0x8000004E  }
0xc2: {  	_ =	swait.ge [sflag:s29], $0x1  }
0xc3: {  	[sflag:s29] =	ssyncadd.s32 $0xFFFFFFFF  }
0xc4: {  	_ =	strace $0x9000004E  }
0xc5: {  	_ =	sfence  }
0xc6: {  	s30 =	sld [smem:$0x0];
	_ =	sdelay $0x2  }
0xc7: {  	s31 =	sshll.u32 s1, $0xD;
	s1 =	sshrl.u32 s1, $0x2  }
0xc8: {  	s4 =	sand.u32 $0x4000, s31;
	s1 =	sadd.s32 s1, s30  }
0xc9: {  	s0 =	sor.u32 s4, s0;
	s1 =	sshll.u32 s1, $0x11  }
0xca: {  	s0 =	sor.u32 s1, s0  }
0xcb: {  	s0 =	sadd.s32 $0x8F2B, s0  }
0xcc: {  	[sflag:s0] =	ssyncadd.remote.s32 $0x1  }
0xcd: {  	_ =	sfence.sel $0xFFFF  }
0xce: {  	[dreg:$0x0] =	wrdreg $0xFFFFFFFF;
	(pc) =	sbr.abs _section_cstart, $3  }
0xcf: {  	[dreg:$0x1] =	wrdreg $0xFFFFFFFF  }
0xd0: {  	_ =	task.clear_ibuf [dreg:s22], $0x2FFFF;
	_ =	strace $0x9FFFFFFF  }
0xd1: {  	(tm) =	ssettm $0x7FFFFFFF  }
tec
execute0_lowered:
.L_overlay_start_1:
0x0: {  	(tag) =	ssettag $0x1  }
0x1: {  	s5 =	rddreg [dreg:$0x0]  }
0x2: {  	s1 =	rddreg [dreg:$0x1];
	s2 =	srdreg.scid  }
0x3: {  	s3 =	simm.s32 $0x0;
	s12 =	sand.u32 $0x1, s2;
	s15 =	sadd.s32 $0x50D200, s5  }
0x4: {  	s2 =	stileid.u32;
	s14 =	sadd.s32 $0xF4C200, s5;
	s6 =	smul.u32 $0x140000, s12  }
0x5: {  	[smem:$0x7FF] =	sst s3;
	s4 =	sadd.s32 $0x517200, s5;
	s7 =	smul.u32 $0x14000, s2  }
0x6: {  	_ =	strace $0x8000004D;
	s17 =	ssub.s32 $0x2, s12;
	s9 =	smul.u32 $0x50000, s2  }
0x7: {  	s18 =	sshll.u32 s2, $0x1;
	s21 =	sshll.u32 s2, $0x6;
	s26 =	sshll.u32 s2, $0xC  }
0x8: {  	s28 =	sshll.u32 s12, $0xB;
	s8 =	sshrl.u32 s17, $0x1;
	s19 =	sor.u32 s12, s18  }
0x9: {  	s18 =	sshll.u32 s12, $0x4;
	s6 =	sadd.s32 s7, s6;
	s7 =	ssub.s32 s17, s8  }
0xa: {  	s20 =	sshrl.u32 s9, $0x2;
	s22 =	sshll.u32 s19, $0x7;
	s10 =	sor.u32 $0x9E0, s19  }
0xb: {  	s17 =	sshll.u32 s2, $0x5;
	s19 =	sor.u32 s28, s26;
	s6 =	sshrl.u32 s6, $0x3  }
0xc: {  	s16 =	sadd.s32 s20, s1;
	s7 =	smax.u32 s7, $0x1;
	s24 =	sor.u32 $0x4E000, s22  }
0xd: {  	s11 =	sshll.u32 s10, $0x4;
	s13 =	sshll.u32 s10, $0xB;
	s25 =	sor.u32 s18, s17  }
0xe: {  	s20 =	sshll.u32 s2, $0x8;
	s29 =	sadd.s32 s19, s14;
	s17 =	simm.s32 $0x3  }
0xf: {  	s18 =	simm.s32 $0x100;
	s19 =	simm.s32 $0x80;
	s22 =	simm.s32 $0x2  }
0x10: {  	s6 =	sadd.s32 s6, s5;
	s5 =	sor.u32 $0x1C03, s21;
	s23 =	sshrl.u32 s24, $0x3  }
0x11: {  	s9 =	sshll.u32 s24, $0x4;
	s10 =	sadd.s32 s15, s11;
	s11 =	sadd.s32 s14, s13  }
0x12: {  	s13 =	sadd.s32 s25, s15;
	s21 =	sshll.u32 s12, $0x7;
	s16 =	sshrl.u32 s16, $0x3  }
0x13: {  	p0 =	sgt.u32 s24, $0x4E1FF;
	s24 =	simm.s32 $0x0;
	s6 =	sadd.s32 $0x3200, s6  }
0x14: {  	s8 =	sadd.s32 s15, s23;
	s9 =	sadd.s32 s14, s9;
	s12 =	sadd.s32 $0x200, s13  }
0x15: {  	s30 =	sor.u32 s21, s20;
	s13 =	sadd.s32 $0x10000, s29;
	s14 =	sadd.s32 s26, s14  }
0x16: {  	s20 =	simm.s32 $0x4100;
	s21 =	simm.s32 $0x1;
	s31 =	sshrl.u32 s30, $0x3  }
0x17: {  	s23 =	simm.s32 $0x4;
	s14 =	sadd.s32 s28, s14;
	s15 =	sadd.s32 s31, s15  }
.LBB2_1:
0x18: {  	[spmem:s16], [sflag:s5] =	dma.local [hbm:s4], $0x2800  }
0x19: {  	_ =	swait.ge [sflag:s17], $0x2800  }
0x1a: {  	[sflag:s17] =	ssyncset.done $0x0  }
0x1b: {  	[sflag:s17] =	ssyncadd.s32 $0xFFFFD800  }
0x1c: {  	s25 =	sadd.s32 $0x0, s15;
	[bflag:$0x0] =	sbarrier.arrive $0xFFFF  }
0x1d: {  	[tilespmem:s3], [sflag:$0x1] =	stream.linear.gather [hbm4b:s25+s3], $0x80, $0x38;
	[tilespmem:$0x1C100] =	vst v63  }
0x1e: {  	_ = 	snop  }
0x1f: {  	[tilespmem:s18], [sflag:$0x2] =	stream.linear.gather [hbm4b:s14+s3], $0x4000, $0x38;
	[tilespmem:$0x1C100] =	vst v63  }
0x20: {  	s31 =	sadd.s32 $0x0, s12  }
0x21: {  	[tilespmem:s19], [sflag:$0x1] =	stream.linear.gather [hbm4b:s31+s3], $0x80, $0x38;
	[tilespmem:$0x1C100] =	vst v63  }
0x22: {  	_ = 	snop  }
0x23: {  	[tilespmem:s20], [sflag:$0x2] =	stream.linear.gather [hbm4b:s13+s3], $0x4000, $0x38;
	[tilespmem:$0x1C100] =	vst v63  }
0x24: {  	_ =	swait.ge [sflag:s21], $0x80  }
0x25: {  	[sflag:s21] =	ssyncset.done $0x0  }
0x26: {  	[sflag:s21] =	ssyncadd.s32 $0xFFFFFF80  }
0x27: {  	_ =	swait.ge [sflag:s22], $0x4000  }
0x28: {  	[sflag:s22] =	ssyncset.done $0x0  }
0x29: {  	[sflag:s22] =	ssyncadd.s32 $0xFFFFC000  }
0x2a: {  	[spmem:s1] =	stream.indirect.scatter.add.f32 [tilespmem:s18], [sflag:$0x4], $0x80, s3, s19, $0xb8;
	[tilespmem:$0x1C100] =	vst v63  }
0x2b: {  	_ =	swait.ge [sflag:s23], $0x4000  }
0x2c: {  	[sflag:s23] =	ssyncset.done $0x0  }
0x2d: {  	[sflag:s23] =	ssyncadd.s32 $0xFFFFC000  }
0x2e: {  	_ =	swait.ge [sflag:s21], $0x80  }
0x2f: {  	[sflag:s21] =	ssyncset.done $0x0  }
0x30: {  	[sflag:s21] =	ssyncadd.s32 $0xFFFFFF80  }
0x31: {  	_ =	swait.ge [sflag:s22], $0x4000  }
0x32: {  	[sflag:s22] =	ssyncset.done $0x0  }
0x33: {  	[sflag:s22] =	ssyncadd.s32 $0xFFFFC000  }
0x34: {  	[spmem:s1] =	stream.indirect.scatter.add.f32 [tilespmem:s20], [sflag:$0x3], $0x80, s19, s19, $0xb8;
	[tilespmem:$0x1C100] =	vst v63  }
0x35: {  	s29 =	simm.s32 $0x800;
	s26 =	sadd.s32 $0x20000, s13;
	_ =	swait.ge [sflag:s17], $0x4000  }
0x36: {  	s28 =	sadd.s32 $0x20000, s14;
	s25 =	simm.s32 $0x400;
	[sflag:s17] =	ssyncset.done $0x0  }
.LBB2_2:
0x37: {  	s30 =	sadd.s32 s25, s15  }
0x38: {  	[sflag:s17] =	ssyncadd.s32 $0xFFFFC000;
	s31 =	smov.u32 s29;
	s0 =	sadd.s32 $0x400, s29  }
0x39: {  	[tilespmem:s3], [sflag:$0x1] =	stream.linear.gather [hbm4b:s30+s3], $0x80, $0x38;
	[tilespmem:$0x1C100] =	vst v63  }
0x3a: {  	p1 =	sne.s32 s29, $0x9800  }
0x3b: {  	[tilespmem:s18], [sflag:$0x2] =	stream.linear.gather [hbm4b:s28+s3], $0x4000, $0x38;
	[tilespmem:$0x1C100] =	vst v63  }
0x3c: {  	s29 =	sadd.s32 s25, s12;
	s25 =	smov.u32 s31  }
0x3d: {  	[tilespmem:s19], [sflag:$0x1] =	stream.linear.gather [hbm4b:s29+s3], $0x80, $0x38;
	[tilespmem:$0x1C100] =	vst v63  }
0x3e: {  	_ = 	snop  }
0x3f: {  	[tilespmem:s20], [sflag:$0x2] =	stream.linear.gather [hbm4b:s26+s3], $0x4000, $0x38;
	[tilespmem:$0x1C100] =	vst v63  }
0x40: {  	_ =	swait.ge [sflag:s21], $0x80  }
0x41: {  	[sflag:s21] =	ssyncset.done $0x0  }
0x42: {  	[sflag:s21] =	ssyncadd.s32 $0xFFFFFF80  }
0x43: {  	_ =	swait.ge [sflag:s22], $0x4000  }
0x44: {  	[sflag:s22] =	ssyncset.done $0x0  }
0x45: {  	[sflag:s22] =	ssyncadd.s32 $0xFFFFC000  }
0x46: {  	[spmem:s1] =	stream.indirect.scatter.add.f32 [tilespmem:s18], [sflag:$0x4], $0x80, s3, s19, $0xb8;
	[tilespmem:$0x1C100] =	vst v63  }
0x47: {  	_ =	swait.ge [sflag:s23], $0x4000  }
0x48: {  	[sflag:s23] =	ssyncset.done $0x0  }
0x49: {  	[sflag:s23] =	ssyncadd.s32 $0xFFFFC000  }
0x4a: {  	_ =	swait.ge [sflag:s21], $0x80  }
0x4b: {  	[sflag:s21] =	ssyncset.done $0x0  }
0x4c: {  	[sflag:s21] =	ssyncadd.s32 $0xFFFFFF80  }
0x4d: {  	_ =	swait.ge [sflag:s22], $0x4000  }
.Ltmp0:
0x4e: {  	[sflag:s22] =	ssyncset.done $0x0;
	(pc) =	sbr.rel @p1 .LBB2_2-.Ltmp0, $4  }
0x4f: {  	[sflag:s22] =	ssyncadd.s32 $0xFFFFC000  }
0x50: {  	[spmem:s1] =	stream.indirect.scatter.add.f32 [tilespmem:s20], [sflag:$0x3], $0x80, s19, s19, $0xb8;
	[tilespmem:$0x1C100] =	vst v63  }
0x51: {  	s28 =	sadd.s32 $0x20000, s28;
	_ =	swait.ge [sflag:s17], $0x4000  }
0x52: {  	s29 =	smov.u32 s0;
	s26 =	sadd.s32 $0x20000, s26;
	[sflag:s17] =	ssyncset.done $0x0  }
0x53: {  	s0 =	sadd.s32 s25, s15;
	[sflag:s17] =	ssyncadd.s32 $0xFFFFC000  }
0x54: {  	[tilespmem:s3], [sflag:$0x1] =	stream.linear.gather [hbm4b:s0+s3], $0x80, $0x38;
	[tilespmem:$0x1C100] =	vst v63  }
0x55: {  	_ = 	snop  }
0x56: {  	[tilespmem:s18], [sflag:$0x2] =	stream.linear.gather [hbm4b:s28+s3], $0x4000, $0x38;
	[tilespmem:$0x1C100] =	vst v63  }
0x57: {  	s31 =	sadd.s32 s25, s12  }
0x58: {  	[tilespmem:s19], [sflag:$0x1] =	stream.linear.gather [hbm4b:s31+s3], $0x80, $0x38;
	[tilespmem:$0x1C100] =	vst v63  }
0x59: {  	_ = 	snop  }
0x5a: {  	[tilespmem:s20], [sflag:$0x2] =	stream.linear.gather [hbm4b:s26+s3], $0x4000, $0x38;
	[tilespmem:$0x1C100] =	vst v63  }
0x5b: {  	_ =	swait.ge [sflag:s21], $0x80  }
0x5c: {  	[sflag:s21] =	ssyncset.done $0x0  }
0x5d: {  	[sflag:s21] =	ssyncadd.s32 $0xFFFFFF80  }
0x5e: {  	_ =	swait.ge [sflag:s22], $0x4000  }
0x5f: {  	[sflag:s22] =	ssyncset.done $0x0  }
0x60: {  	[sflag:s22] =	ssyncadd.s32 $0xFFFFC000  }
0x61: {  	[spmem:s1] =	stream.indirect.scatter.add.f32 [tilespmem:s18], [sflag:$0x4], $0x80, s3, s19, $0xb8;
	[tilespmem:$0x1C100] =	vst v63  }
0x62: {  	_ =	swait.ge [sflag:s23], $0x4000  }
0x63: {  	[sflag:s23] =	ssyncset.done $0x0  }
0x64: {  	[sflag:s23] =	ssyncadd.s32 $0xFFFFC000  }
0x65: {  	_ =	swait.ge [sflag:s21], $0x80  }
0x66: {  	[sflag:s21] =	ssyncset.done $0x0  }
0x67: {  	[sflag:s21] =	ssyncadd.s32 $0xFFFFFF80  }
0x68: {  	_ =	swait.ge [sflag:s22], $0x4000  }
0x69: {  	[sflag:s22] =	ssyncset.done $0x0  }
0x6a: {  	[sflag:s22] =	ssyncadd.s32 $0xFFFFC000  }
0x6b: {  	[spmem:s1] =	stream.indirect.scatter.add.f32 [tilespmem:s20], [sflag:$0x3], $0x80, s19, s19, $0xb8;
	[tilespmem:$0x1C100] =	vst v63  }
0x6c: {  	_ =	swait.ge [sflag:s17], $0x4000  }
0x6d: {  	[sflag:s17] =	ssyncset.done $0x0  }
0x6e: {  	[sflag:s17] =	ssyncadd.s32 $0xFFFFC000  }
0x6f: {  	[tilespmem:s3], [sflag:$0x1] =	stream.linear.gather [hbm4b:s8+s3], $0x80, $0x38;
	[tilespmem:$0x1C100] =	vst v63  }
0x70: {  	_ = 	snop  }
0x71: {  	[tilespmem:s18], [sflag:$0x2] =	stream.linear.gather [hbm4b:s9+s3], $0x4000, $0x38;
	[tilespmem:$0x1C100] =	vst v63  }
0x72: {  	_ = 	snop  }
0x73: {  	[tilespmem:s19], [sflag:$0x1] =	stream.linear.gather [hbm4b:s10+s3], $0x80, $0x38;
	[tilespmem:$0x1C100] =	vst v63  }
0x74: {  	_ = 	snop  }
0x75: {  	[tilespmem:s20], [sflag:$0x2] =	stream.linear.gather [hbm4b:s11+s3], $0x4000, $0x38;
	[tilespmem:$0x1C100] =	vst v63  }
0x76: {  	_ =	swait.ge [sflag:s21], $0x80  }
0x77: {  	[sflag:s21] =	ssyncset.done $0x0  }
0x78: {  	[sflag:s21] =	ssyncadd.s32 $0xFFFFFF80  }
0x79: {  	_ =	swait.ge [sflag:s22], $0x4000  }
0x7a: {  	s25 =	simm.s32 @!p0 $0x0;
	[sflag:s22] =	ssyncset.done $0x0  }
0x7b: {  	s0 =	simm.s32 @!p0 $0x80;
	s26 =	simm.s32 @!p0 $0x100;
	[sflag:s22] =	ssyncadd.s32 $0xFFFFC000  }
0x7c: {  	[spmem:s1] =	stream.indirect.scatter.add.f32 @!p0 [tilespmem:s26], [sflag:$0x4], $0x80, s25, s0, $0xb8;
	[tilespmem:$0x1C100] =	vst v63  }
0x7d: {  	s0 =	simm.s32 @!p0 $0x4  }
0x7e: {  	_ =	swait.ge @!p0 [sflag:s0], $0x4000  }
0x7f: {  	[sflag:s0] =	ssyncset.done @!p0 $0x0  }
0x80: {  	[sflag:s0] =	ssyncadd.s32 @!p0 $0xFFFFC000  }
0x81: {  	_ =	swait.ge [sflag:s21], $0x80  }
0x82: {  	[sflag:s21] =	ssyncset.done $0x0  }
0x83: {  	[sflag:s21] =	ssyncadd.s32 $0xFFFFFF80  }
0x84: {  	_ =	swait.ge [sflag:s22], $0x4000  }
0x85: {  	s24 =	sadd.s32 $0x1, s24;
	[sflag:s22] =	ssyncset.done $0x0  }
0x86: {  	p1 =	sne.s32 s24, s7;
	[sflag:s22] =	ssyncadd.s32 $0xFFFFC000  }
.Ltmp1:
0x87: {  	[bflag:$0x0] =	sbarrier.arrive $0xFFFF;
	(pc) =	sbr.rel @p1 .LBB2_1-.Ltmp1, $4  }
0x88: {  	[hbm:s6], [sflag:s5] =	dma.local [spmem:s16], $0x2800  }
0x89: {  	_ =	swait.ge [sflag:s17], $0x2800  }
0x8a: {  	[sflag:s17] =	ssyncset.done $0x0  }
0x8b: {  	[sflag:s17] =	ssyncadd.s32 $0xFFFFD800  }
0x8c: {  	_ =	sfence.sel $0x180000  }
0x8d: {  	[bflag:$0x0] =	sbarrier.arrive $0xFFFF  }
0x8e: {  	_ =	strace $0x9000004D  }
0x8f: {  	[bflag:$0x2] =	sbarrier.arrive $0xFFFF  }
0x90: {  	p0 =	sne.s32 s2, $0x0;
	s0 =	rddreg [dreg:$0x2]  }
0x91: {  	s0 =	sadd.s32 @!p0 $0x100000, s0  }
0x92: {  	[sflag:s0] =	ssyncadd.tile.s32 @!p0 $0x1;
	_ =	shalt  }
.Lfunc_end2:
_tile_overlayer_lowered:
.L_overlay_start_2:
0x93: {  	(tag) =	ssettag $0x2  }
0x94: {  	s0 =	rddreg [dreg:$0x0];
	s2 =	stileid.u32  }
0x95: {  	s1 =	rddreg [dreg:$0x1];
	p0 =	sne.s32 s2, $0x0  }
0x96: {  	s3 =	rddreg [dreg:$0x2];
	[bflag:$0x3] =	sbarrier.arrive $0xFFFF;
	s2 =	simm.s32 @!p0 $0x1C03  }
0x97: {  	[timem:s3], [sflag:s2] =	dma.local @!p0 [hbm:s0], s1  }
0x98: {  	s0 =	simm.s32 @!p0 $0x3  }
0x99: {  	_ =	swait.ge @!p0 [sflag:s0], s1  }
0x9a: {  	s1 =	ssub.s32 @!p0 $0x0, s1;
	[sflag:s0] =	ssyncset.done @!p0 $0x0  }
0x9b: {  	[sflag:s0] =	ssyncadd.s32 @!p0 s1  }
0x9c: {  	[bflag:$0x3] =	sbarrier.arrive $0xFFFF  }
0x9d: {  	_ =	shalt  }

// kernel: kernel.8.cloned.1.call-start
scs
__scs_entry_jumppad:
0x0: {  	(pc) =	sbr.rel $0x88, $3  }
0x1: {  	(tag) =	ssettag $0x0;
	lr =	simm.s32 $0x1  }
0x2: {  	[smem:$0x3F99] =	sst lr;
	_ =	strace $0xD0000000  }
0x3: {  	_ = 	snop  }
0x4: {  	_ = 	snop  }
0x5: {  	_ = 	snop  }
0x6: {  	_ = 	snop  }
0x7: {  	_ = 	snop  }
__scs_overlays_trampoline_lowered:
0x8: {  	[smem:$0x3FA8] =	sst s0  }
0x9: {  	[smem:$0x3FA9] =	sst s1  }
0xa: {  	[smem:$0x3FAA] =	sst s2  }
0xb: {  	[smem:$0x3FAB] =	sst s3  }
0xc: {  	[smem:$0x3FAC] =	sst s4  }
0xd: {  	[smem:$0x3FAD] =	sst s5  }
0xe: {  	[smem:$0x3FAE] =	sst s6  }
0xf: {  	[smem:$0x3FAF] =	sst s7  }
0x10: {  	[smem:$0x3FB0] =	sst s8  }
0x11: {  	[smem:$0x3FB1] =	sst s9;
	s0 =	simm.s32 @!p0 $0x0  }
0x12: {  	s1 =	sld [smem:$0x3F97];
	s0 =	simm.s32 @p0 $0x1  }
0x13: {  	[smem:$0x3FB2] =	sst s0;
	s0 =	simm.s32 @!p1 $0x0  }
0x14: {  	s2 =	sld [smem:$0x3F96];
	s0 =	simm.s32 @p1 $0x1  }
0x15: {  	[smem:$0x3FB3] =	sst s0;
	s0 =	simm.s32 @!p2 $0x0  }
0x16: {  	s3 =	sld [smem:$0x3FDB];
	s0 =	simm.s32 @p2 $0x1  }
0x17: {  	s4 =	simm.s32 $0x1BF5;
	[smem:$0x3FB5] =	sst s0  }
0x18: {  	s0 =	sld [smem:$0x3F98];
	_ =	swait.ge [sflag:s4], $0x0  }
0x19: {  	s7 =	sld [smem:$0x3F99]  }
0x1a: {  	s8 =	sadd.s32 $0xFFFFE003, lr  }
0x1b: {  	s9 =	sadd.s32 $0xFFFFFEF7, lr;
	s5 =	simm.s32 $0xFFFFFFFF;
	p2 =	slt.u32 s8, $0xFFFFF086  }
0x1c: {  	p1 =	slt.u32 s9, $0xF7A;
	s5 =	simm.s32 @!p2 $0x0  }
0x1d: {  	s5 =	simm.s32 @p1 $0x1;
	p0 =	seq.s32 s7, s2  }
0x1e: {  	s7 =	smul.u32 @!p0 $0xF7A, s2;
	p2 =	seq.s32 @!p0 s5, $0x0  }
0x1f: {  	s9 =	smul.u32 $0xF7A, s1;
	s8 =	simm.s32 @!p0 $0x1BF5;
	p2 =	por !p2, p0  }
0x20: {  	[sflag:s8] =	ssyncset.s32 @!p0 $0xFFFFF086;
	s6 =	sadd.s32 @!p0 s3, s7;
	s7 =	simm.s32 @!p0 $0x108  }
0x21: {  	s3 =	sadd.s32 s3, s9;
	s6 =	sadd.s32 @!p0 $0x88, s6;
	s7 =	simm.s32 @p2 $0x1082  }
0x22: {  	[simem:s7], [sflag:s8] =	dma.local @!p0 [hbm:s6], $0xF7A  }
0x23: {  	s9 =	sor.u32 $0xD0000000, s2;
	s6 =	simm.s32 $0x108;
	_ =	swait.ge @!p0 [sflag:s8], $0x0  }
0x24: {  	s3 =	sadd.s32 $0x88, s3;
	s6 =	simm.s32 @!p1 $0x1082;
	[sflag:s4] =	ssyncset.s32 $0xFFFFF086  }
0x25: {  	[simem:s6], [sflag:s4] =	dma.local [hbm:s3], $0xF7A  }
0x26: {  	[smem:$0x3F99] =	sst s1;
	(tag) =	ssettag s2;
	_ =	strace s9  }
0x27: {  	s1 =	sld [smem:$0x3FA9]  }
0x28: {  	s2 =	sld [smem:$0x3FAA]  }
0x29: {  	s4 =	sld [smem:$0x3FAC]  }
0x2a: {  	p0 =	seq.s32 s5, $0x0;
	s5 =	sld [smem:$0x3FAD]  }
0x2b: {  	s6 =	sld [smem:$0x3FAE]  }
0x2c: {  	s7 =	sld [smem:$0x3FAF]  }
0x2d: {  	s3 =	simm.s32 $0x108;
	s8 =	sld [smem:$0x3FB0]  }
0x2e: {  	s3 =	simm.s32 @!p0 $0x1082;
	s9 =	sld [smem:$0x3FB1]  }
0x2f: {  	lr =	sadd.s32 s0, s3;
	s0 =	sld [smem:$0x3FA8]  }
0x30: {  	s3 =	sld [smem:$0x3FAB]  }
0x31: {  	[smem:$0x3FB4] =	sst s10  }
0x32: {  	s10 =	sld [smem:$0x3FB2];
	_ =	sdelay $0x3  }
0x33: {  	p0 =	seq.s32 s10, $0x1;
	s10 =	sld [smem:$0x3FB4];
	_ =	sdelay $0x3  }
0x34: {  	[smem:$0x3FB4] =	sst s10  }
0x35: {  	s10 =	sld [smem:$0x3FB3];
	_ =	sdelay $0x3  }
0x36: {  	p1 =	seq.s32 s10, $0x1;
	s10 =	sld [smem:$0x3FB4];
	_ =	sdelay $0x3  }
0x37: {  	[smem:$0x3FB4] =	sst s10  }
0x38: {  	s10 =	sld [smem:$0x3FB5]  }
0x39: {  	_ = 	snop;
	(pc) =	sbr.ind lr, $3  }
0x3a: {  	_ = 	snop  }
0x3b: {  	_ = 	snop  }
0x3c: {  	p2 =	seq.s32 s10, $0x1;
	s10 =	sld [smem:$0x3FB4]  }
0x3d: {  	_ =	shalt  }
0x3e: {  	_ =	shalt  }
0x3f: {  	_ =	shalt  }
0x40: {  	_ =	shalt  }
0x41: {  	_ =	shalt  }
0x42: {  	_ =	shalt  }
0x43: {  	_ =	shalt  }
0x44: {  	_ =	shalt  }
0x45: {  	_ =	shalt  }
0x46: {  	_ =	shalt  }
0x47: {  	_ =	shalt  }
0x48: {  	_ =	shalt  }
0x49: {  	_ =	shalt  }
0x4a: {  	_ =	shalt  }
0x4b: {  	_ =	shalt  }
0x4c: {  	_ =	shalt  }
0x4d: {  	_ =	shalt  }
0x4e: {  	_ =	shalt  }
0x4f: {  	_ =	shalt  }
0x50: {  	_ =	shalt  }
0x51: {  	_ =	shalt  }
0x52: {  	_ =	shalt  }
0x53: {  	_ =	shalt  }
0x54: {  	_ =	shalt  }
0x55: {  	_ =	shalt  }
0x56: {  	_ =	shalt  }
0x57: {  	_ =	shalt  }
0x58: {  	_ =	shalt  }
0x59: {  	_ =	shalt  }
0x5a: {  	_ =	shalt  }
0x5b: {  	_ =	shalt  }
0x5c: {  	_ =	shalt  }
0x5d: {  	_ =	shalt  }
0x5e: {  	_ =	shalt  }
0x5f: {  	_ =	shalt  }
0x60: {  	_ =	shalt  }
0x61: {  	_ =	shalt  }
0x62: {  	_ =	shalt  }
0x63: {  	_ =	shalt  }
0x64: {  	_ =	shalt  }
0x65: {  	_ =	shalt  }
0x66: {  	_ =	shalt  }
0x67: {  	_ =	shalt  }
0x68: {  	_ =	shalt  }
0x69: {  	_ =	shalt  }
0x6a: {  	_ =	shalt  }
0x6b: {  	_ =	shalt  }
0x6c: {  	_ =	shalt  }
0x6d: {  	_ =	shalt  }
0x6e: {  	_ =	shalt  }
0x6f: {  	_ =	shalt  }
0x70: {  	_ =	shalt  }
0x71: {  	_ =	shalt  }
0x72: {  	_ =	shalt  }
0x73: {  	_ =	shalt  }
0x74: {  	_ =	shalt  }
0x75: {  	_ =	shalt  }
0x76: {  	_ =	shalt  }
0x77: {  	_ =	shalt  }
0x78: {  	_ =	shalt  }
0x79: {  	_ =	shalt  }
0x7a: {  	_ =	shalt  }
0x7b: {  	_ =	shalt  }
0x7c: {  	_ =	shalt  }
0x7d: {  	_ =	shalt  }
0x7e: {  	_ =	shalt  }
0x7f: {  	_ =	shalt  }
0x80: {  	_ =	shalt  }
0x81: {  	_ =	shalt  }
0x82: {  	_ =	shalt  }
0x83: {  	_ =	shalt  }
0x84: {  	_ =	shalt  }
0x85: {  	_ =	shalt  }
0x86: {  	_ =	shalt  }
0x87: {  	_ =	shalt  }
.Lfunc_end0:
.L_simem_size_0:
called_computation_lowered:
.L_overlay_start_0:
0x88: {  	s2 =	sld [smem:$0x3FD9]  }
0x89: {  	s3 =	sld [smem:$0x3FFE];
	_ =	sdelay $0x1  }
0x8a: {  	s1 =	srdreg.scid  }
0x8b: {  	s0 =	sand.u32 $0x1, s1  }
0x8c: {  	s17 =	sshll.u32 s0, $0xA;
	s2 =	sadd.s32 s3, s2  }
0x8d: {  	s2 =	sadd.s32 s2, s17  }
0x8e: {  	[smem:$0x3FC0] =	sst s2  }
0x8f: {  	_ = 	snop  }
0x90: {  	s2 =	sld [smem:$0x3FD0];
	(tm) =	ssettm $0x1  }
0x91: {  	s18 =	sld [smem:$0x3FFB];
	_ =	sdelay $0x3  }
0x92: {  	_ =	strace s18  }
0x93: {  	s3 =	sld [smem:$0x3FFC];
	_ =	sdelay $0x3  }
0x94: {  	_ =	strace s3  }
0x95: {  	s3 =	sld [smem:$0x3FFD];
	_ =	sdelay $0x3  }
0x96: {  	_ =	strace s3  }
0x97: {  	_ =	strace $0x8FFFFFFF  }
0x98: {  	s19 =	sld [smem:$0x3FDB];
	_ =	sdelay $0x1  }
0x99: {  	s4 =	simm.s32 $_scs_section_size  }
0x9a: {  	s5 =	simm.s32 $_size__tile_overlayer_lowered;
	s6 =	simm.s32 $_tile_overlayer_lowered  }
0x9b: {  	s22 =	simm.s32 $0x1BFF;
	s21 =	sshll.u32 s6, $0x1;
	s3 =	sadd.s32 s4, s19  }
0x9c: {  	s7 =	simm.s32 $0x0;
	s20 =	sshll.u32 s5, $0x1;
	s5 =	sadd.s32 s21, s3  }
0x9d: {  	[timem:s7], [sflag:s22] =	dma.local [hbm:s5], s20  }
0x9e: {  	_ =	swait.ge [sflag:s22], s20  }
0x9f: {  	s4 =	ssub.s32 $0x0, s20;
	[sflag:s22] =	ssyncset.done $0x0  }
0xa0: {  	[sflag:s22] =	ssyncadd.s32 s4;
	_ =	sdelay $0x1  }
0xa1: {  	s23 =	simm.s32 $0x1B8B  }
0xa2: {  	_ =	swait.ge [sflag:s23], $0x1  }
0xa3: {  	[sflag:s23] =	ssyncset.done $0x0  }
0xa4: {  	s25 =	simm.s32 $0x1B8E;
	s24 =	sld [smem:$0x3FFE];
	[sflag:s23] =	ssyncadd.s32 $0xFFFFFFFF  }
0xa5: {  	s26 =	simm.s32 $execute0_lowered;
	[smem:$0x3FD2] =	sst s25  }
0xa6: {  	s5 =	sshll.u32 s26, $0x1;
	_ =	strace $0x80000046;
	[dreg:$0x1] =	wrdreg $0xFFFFFFFF  }
0xa7: {  	s28 =	simm.s32 $_size_execute0_lowered;
	s3 =	sadd.s32 s3, s5;
	[dreg:$0x0] =	wrdreg $0x0  }
0xa8: {  	s5 =	sshll.u32 s28, $0x1;
	[dreg:$0x2] =	wrdreg s3  }
0xa9: {  	[dreg:$0x3] =	wrdreg s5  }
0xaa: {  	[dreg:$0x4] =	wrdreg $0xC0  }
0xab: {  	_ =	task [dreg:s7], $0x5FFFF  }
0xac: {  	[dreg:$0x1] =	wrdreg $0xFFFFFFFF  }
0xad: {  	[dreg:$0x0] =	wrdreg $0x60  }
0xae: {  	[dreg:$0x2] =	wrdreg s2  }
0xaf: {  	[dreg:$0x3] =	wrdreg s24  }
0xb0: {  	[dreg:$0x4] =	wrdreg $0xA  }
0xb1: {  	_ =	task.clear_ibuf [dreg:s7], $0x5FFFF;
	_ =	strace $0x90000046  }
0xb2: {  	s29 =	simm.s32 $0xA;
	_ =	strace $0x80000048  }
0xb3: {  	_ =	swait.ge [sflag:s29], $0x1  }
0xb4: {  	[sflag:s29] =	ssyncadd.s32 $0xFFFFFFFF  }
0xb5: {  	_ =	strace $0x90000048  }
0xb6: {  	_ =	sfence  }
0xb7: {  	s30 =	sld [smem:$0x0];
	_ =	sdelay $0x2  }
0xb8: {  	s31 =	sshll.u32 s1, $0xD;
	s1 =	sshrl.u32 s1, $0x2  }
0xb9: {  	s3 =	sand.u32 $0x4000, s31;
	s1 =	sadd.s32 s1, s30  }
0xba: {  	s0 =	sor.u32 s3, s0;
	s1 =	sshll.u32 s1, $0x11  }
0xbb: {  	s0 =	sor.u32 s1, s0  }
0xbc: {  	s0 =	sadd.s32 $0x8F2B, s0  }
0xbd: {  	[sflag:s0] =	ssyncadd.remote.s32 $0x1  }
0xbe: {  	_ =	sfence.sel $0xFFFF  }
0xbf: {  	[dreg:$0x0] =	wrdreg $0xFFFFFFFF;
	(pc) =	sbr.abs _section_cstart, $3  }
0xc0: {  	[dreg:$0x1] =	wrdreg $0xFFFFFFFF  }
0xc1: {  	_ =	task.clear_ibuf [dreg:s7], $0x2FFFF;
	_ =	strace $0x9FFFFFFF  }
0xc2: {  	(tm) =	ssettm $0x7FFFFFFF  }
0xc3: {  	_ =	shalt  }
tec
execute0_lowered:
.L_overlay_start_1:
0x0: {  	(tag) =	ssettag $0x1  }
0x1: {  	s2 =	rddreg [dreg:$0x0]  }
0x2: {  	s4 =	rddreg [dreg:$0x1]  }
0x3: {  	s0 =	rddreg [dreg:$0x2];
	s5 =	srdreg.scid  }
0x4: {  	s1 =	stileid.u32;
	s3 =	simm.s32 $0x0;
	s14 =	simm.s32 $0x2  }
0x5: {  	s15 =	simm.s32 $0x4100;
	s16 =	simm.s32 $0x3;
	s8 =	sand.u32 $0x1, s5  }
0x6: {  	s21 =	sshll.u32 s1, $0x1;
	[smem:$0x7FF] =	sst s3;
	s10 =	sadd.s32 $0x3200, s4  }
0x7: {  	s11 =	sadd.s32 $0xD200, s4;
	s25 =	sshll.u32 s1, $0xC;
	s12 =	sshll.u32 s1, $0x5  }
0x8: {  	s28 =	sshll.u32 s1, $0x8;
	s6 =	sor.u32 s8, s21;
	_ =	strace $0x80000047  }
0x9: {  	s22 =	ssub.s32 $0x2, s8;
	s26 =	sshll.u32 s8, $0xB;
	s13 =	sshll.u32 s8, $0x4  }
0xa: {  	s8 =	sshll.u32 s8, $0x7;
	s7 =	sshll.u32 s6, $0x7;
	s9 =	sshrl.u32 s22, $0x1  }
0xb: {  	s6 =	sshll.u32 s6, $0x4;
	s12 =	sor.u32 s13, s12;
	s30 =	sor.u32 s8, s28  }
0xc: {  	s13 =	simm.s32 $0x100;
	s17 =	sor.u32 $0x4E000, s7;
	s23 =	ssub.s32 s22, s9  }
0xd: {  	s6 =	sadd.s32 s6, s10;
	s9 =	sadd.s32 s25, s11;
	s29 =	sadd.s32 s12, s10  }
0xe: {  	s31 =	sshrl.u32 s30, $0x3;
	s12 =	simm.s32 $0x1;
	s24 =	sshrl.u32 s17, $0x3  }
0xf: {  	s4 =	smax.u32 s23, $0x1;
	s7 =	sshll.u32 s17, $0x4;
	s6 =	sadd.s32 $0x9E00, s6  }
0x10: {  	s9 =	sadd.s32 s26, s9;
	p0 =	slt.u32 s17, $0x4E200;
	s17 =	simm.s32 $0x0  }
0x11: {  	s5 =	sadd.s32 s10, s24;
	s7 =	sadd.s32 s11, s7;
	s8 =	sadd.s32 $0x10000, s9  }
0x12: {  	s9 =	sadd.s32 $0x200, s29;
	s10 =	sadd.s32 s31, s10;
	s11 =	simm.s32 $0x80  }
.LBB2_1:
0x13: {  	s18 =	sadd.s32 $0x0, s10  }
0x14: {  	[tilespmem:s3], [sflag:$0x1] =	stream.linear.gather [hbm4b:s18+s3], $0x80, $0x38;
	[tilespmem:$0x8100] =	vst v63  }
0x15: {  	s30 =	sadd.s32 $0x0, s9  }
0x16: {  	[tilespmem:s11], [sflag:$0x1] =	stream.linear.gather [hbm4b:s30+s3], $0x80, $0x38;
	[tilespmem:$0x8100] =	vst v63  }
0x17: {  	_ =	swait.ge [sflag:s12], $0x80  }
0x18: {  	[sflag:s12] =	ssyncset.done $0x0  }
0x19: {  	[sflag:s12] =	ssyncadd.s32 $0xFFFFFF80  }
0x1a: {  	[tilespmem:s13], [sflag:$0x2] =	stream.indirect.gather [hbm4b:s2+s11], $0x80, s3, s11, $0xb8;
	[tilespmem:$0x8100] =	vst v63  }
0x1b: {  	_ =	swait.ge [sflag:s14], $0x4000  }
0x1c: {  	[sflag:s14] =	ssyncset.done $0x0  }
0x1d: {  	s31 =	sadd.s32 $0xFFFF0000, s8;
	[sflag:s14] =	ssyncadd.s32 $0xFFFFC000  }
0x1e: {  	[hbm4b:s31+s3] =	stream.linear.scatter [tilespmem:s13], [sflag:$0x3], $0x4000, $0x38;
	[tilespmem:$0x8100] =	vst v63  }
0x1f: {  	_ =	swait.ge [sflag:s12], $0x80  }
0x20: {  	[sflag:s12] =	ssyncset.done $0x0  }
0x21: {  	[sflag:s12] =	ssyncadd.s32 $0xFFFFFF80  }
0x22: {  	[tilespmem:s15], [sflag:$0x2] =	stream.indirect.gather [hbm4b:s2+s11], $0x80, s11, s11, $0xb8;
	[tilespmem:$0x8100] =	vst v63  }
0x23: {  	_ =	swait.ge [sflag:s14], $0x4000  }
0x24: {  	[sflag:s14] =	ssyncset.done $0x0  }
0x25: {  	[sflag:s14] =	ssyncadd.s32 $0xFFFFC000  }
0x26: {  	[hbm4b:s8+s3] =	stream.linear.scatter [tilespmem:s15], [sflag:$0x3], $0x4000, $0x38;
	[tilespmem:$0x8100] =	vst v63  }
0x27: {  	_ =	swait.ge [sflag:s16], $0x4000  }
0x28: {  	[sflag:s16] =	ssyncset.done $0x0  }
0x29: {  	[sflag:s16] =	ssyncadd.s32 $0xFFFFC000  }
0x2a: {  	s19 =	simm.s32 $0x400;
	_ =	swait.ge [sflag:s16], $0x4000  }
0x2b: {  	s20 =	simm.s32 $0x800;
	s18 =	sadd.s32 $0x20000, s8;
	[sflag:s16] =	ssyncset.done $0x0  }
.LBB2_2:
0x2c: {  	s21 =	sadd.s32 s19, s10  }
0x2d: {  	[sflag:s16] =	ssyncadd.s32 $0xFFFFC000;
	s22 =	smov.u32 s20;
	s23 =	sadd.s32 $0x400, s20  }
0x2e: {  	[tilespmem:s3], [sflag:$0x1] =	stream.linear.gather [hbm4b:s21+s3], $0x80, $0x38;
	[tilespmem:$0x8100] =	vst v63  }
0x2f: {  	p1 =	sne.s32 s20, $0x9800;
	s20 =	sadd.s32 s19, s9;
	s19 =	smov.u32 s22  }
0x30: {  	[tilespmem:s11], [sflag:$0x1] =	stream.linear.gather [hbm4b:s20+s3], $0x80, $0x38;
	[tilespmem:$0x8100] =	vst v63  }
0x31: {  	_ =	swait.ge [sflag:s12], $0x80  }
0x32: {  	[sflag:s12] =	ssyncset.done $0x0  }
0x33: {  	[sflag:s12] =	ssyncadd.s32 $0xFFFFFF80  }
0x34: {  	[tilespmem:s13], [sflag:$0x2] =	stream.indirect.gather [hbm4b:s2+s11], $0x80, s3, s11, $0xb8;
	[tilespmem:$0x8100] =	vst v63  }
0x35: {  	_ =	swait.ge [sflag:s14], $0x4000  }
0x36: {  	[sflag:s14] =	ssyncset.done $0x0  }
0x37: {  	s20 =	sadd.s32 $0xFFFF0000, s18;
	[sflag:s14] =	ssyncadd.s32 $0xFFFFC000  }
0x38: {  	[hbm4b:s20+s3] =	stream.linear.scatter [tilespmem:s13], [sflag:$0x3], $0x4000, $0x38;
	[tilespmem:$0x8100] =	vst v63  }
0x39: {  	_ =	swait.ge [sflag:s12], $0x80  }
0x3a: {  	[sflag:s12] =	ssyncset.done $0x0  }
0x3b: {  	[sflag:s12] =	ssyncadd.s32 $0xFFFFFF80  }
0x3c: {  	[tilespmem:s15], [sflag:$0x2] =	stream.indirect.gather [hbm4b:s2+s11], $0x80, s11, s11, $0xb8;
	[tilespmem:$0x8100] =	vst v63  }
0x3d: {  	_ =	swait.ge [sflag:s14], $0x4000  }
0x3e: {  	[sflag:s14] =	ssyncset.done $0x0  }
0x3f: {  	[sflag:s14] =	ssyncadd.s32 $0xFFFFC000  }
0x40: {  	[hbm4b:s18+s3] =	stream.linear.scatter [tilespmem:s15], [sflag:$0x3], $0x4000, $0x38;
	[tilespmem:$0x8100] =	vst v63  }
.Ltmp0:
0x41: {  	_ =	swait.ge [sflag:s16], $0x4000;
	(pc) =	sbr.rel @p1 .LBB2_2-.Ltmp0, $4  }
0x42: {  	[sflag:s16] =	ssyncset.done $0x0  }
0x43: {  	[sflag:s16] =	ssyncadd.s32 $0xFFFFC000  }
0x44: {  	_ =	swait.ge [sflag:s16], $0x4000  }
0x45: {  	s20 =	smov.u32 s23;
	s18 =	sadd.s32 $0x20000, s18;
	[sflag:s16] =	ssyncset.done $0x0  }
0x46: {  	s20 =	sadd.s32 s19, s10;
	[sflag:s16] =	ssyncadd.s32 $0xFFFFC000  }
0x47: {  	[tilespmem:s3], [sflag:$0x1] =	stream.linear.gather [hbm4b:s20+s3], $0x80, $0x38;
	[tilespmem:$0x8100] =	vst v63  }
0x48: {  	s30 =	sadd.s32 s19, s9  }
0x49: {  	[tilespmem:s11], [sflag:$0x1] =	stream.linear.gather [hbm4b:s30+s3], $0x80, $0x38;
	[tilespmem:$0x8100] =	vst v63  }
0x4a: {  	_ =	swait.ge [sflag:s12], $0x80  }
0x4b: {  	[sflag:s12] =	ssyncset.done $0x0  }
0x4c: {  	[sflag:s12] =	ssyncadd.s32 $0xFFFFFF80  }
0x4d: {  	[tilespmem:s13], [sflag:$0x2] =	stream.indirect.gather [hbm4b:s2+s11], $0x80, s3, s11, $0xb8;
	[tilespmem:$0x8100] =	vst v63  }
0x4e: {  	_ =	swait.ge [sflag:s14], $0x4000  }
0x4f: {  	[sflag:s14] =	ssyncset.done $0x0  }
0x50: {  	s31 =	sadd.s32 $0xFFFF0000, s18;
	[sflag:s14] =	ssyncadd.s32 $0xFFFFC000  }
0x51: {  	[hbm4b:s31+s3] =	stream.linear.scatter [tilespmem:s13], [sflag:$0x3], $0x4000, $0x38;
	[tilespmem:$0x8100] =	vst v63  }
0x52: {  	_ =	swait.ge [sflag:s12], $0x80  }
0x53: {  	[sflag:s12] =	ssyncset.done $0x0  }
0x54: {  	[sflag:s12] =	ssyncadd.s32 $0xFFFFFF80  }
0x55: {  	[tilespmem:s15], [sflag:$0x2] =	stream.indirect.gather [hbm4b:s2+s11], $0x80, s11, s11, $0xb8;
	[tilespmem:$0x8100] =	vst v63  }
0x56: {  	_ =	swait.ge [sflag:s14], $0x4000  }
0x57: {  	[sflag:s14] =	ssyncset.done $0x0  }
0x58: {  	[sflag:s14] =	ssyncadd.s32 $0xFFFFC000  }
0x59: {  	[hbm4b:s18+s3] =	stream.linear.scatter [tilespmem:s15], [sflag:$0x3], $0x4000, $0x38;
	[tilespmem:$0x8100] =	vst v63  }
0x5a: {  	_ =	swait.ge [sflag:s16], $0x4000  }
0x5b: {  	[sflag:s16] =	ssyncset.done $0x0  }
0x5c: {  	[sflag:s16] =	ssyncadd.s32 $0xFFFFC000  }
0x5d: {  	_ =	swait.ge [sflag:s16], $0x4000  }
0x5e: {  	[sflag:s16] =	ssyncset.done $0x0  }
0x5f: {  	[sflag:s16] =	ssyncadd.s32 $0xFFFFC000  }
0x60: {  	[tilespmem:s3], [sflag:$0x1] =	stream.linear.gather [hbm4b:s5+s3], $0x80, $0x38;
	[tilespmem:$0x8100] =	vst v63  }
0x61: {  	_ = 	snop  }
0x62: {  	[tilespmem:s11], [sflag:$0x1] =	stream.linear.gather [hbm4b:s6+s3], $0x80, $0x38;
	[tilespmem:$0x8100] =	vst v63  }
0x63: {  	_ =	swait.ge [sflag:s12], $0x80  }
0x64: {  	s19 =	simm.s32 @p0 $0x0;
	[sflag:s12] =	ssyncset.done $0x0  }
0x65: {  	s20 =	simm.s32 @p0 $0x100;
	s18 =	simm.s32 @p0 $0x80;
	[sflag:s12] =	ssyncadd.s32 $0xFFFFFF80  }
0x66: {  	[tilespmem:s20], [sflag:$0x2] =	stream.indirect.gather @p0 [hbm4b:s2+s18], $0x80, s19, s18, $0xb8;
	[tilespmem:$0x8100] =	vst v63  }
0x67: {  	s18 =	simm.s32 @p0 $0x2  }
0x68: {  	_ =	swait.ge @p0 [sflag:s18], $0x4000  }
0x69: {  	[sflag:s18] =	ssyncset.done @p0 $0x0  }
0x6a: {  	[sflag:s18] =	ssyncadd.s32 @p0 $0xFFFFC000;
	s18 =	simm.s32 @p0 $0x1  }
0x6b: {  	[hbm4b:s7+s19] =	stream.linear.scatter @p0 [tilespmem:s20], [sflag:$0x3], $0x4000, $0x38;
	[tilespmem:$0x8100] =	vst v63  }
0x6c: {  	_ =	swait.ge @p0 [sflag:s18], $0x80  }
0x6d: {  	[sflag:s18] =	ssyncset.done @p0 $0x0  }
0x6e: {  	s17 =	sadd.s32 $0x1, s17;
	[sflag:s18] =	ssyncadd.s32 @p0 $0xFFFFFF80;
	s18 =	simm.s32 @p0 $0x3  }
0x6f: {  	p1 =	sne.s32 s17, s4;
	_ =	swait.ge @p0 [sflag:s18], $0x4000  }
.Ltmp1:
0x70: {  	[sflag:s18] =	ssyncset.done @p0 $0x0;
	(pc) =	sbr.rel @p1 .LBB2_1-.Ltmp1, $4  }
0x71: {  	[sflag:s18] =	ssyncadd.s32 @p0 $0xFFFFC000;
	s18 =	simm.s32 @!p0 $0x1  }
0x72: {  	_ =	swait.ge @!p0 [sflag:s18], $0x80  }
0x73: {  	[sflag:s18] =	ssyncset.done @!p0 $0x0  }
0x74: {  	[sflag:s18] =	ssyncadd.s32 @!p0 $0xFFFFFF80  }
0x75: {  	_ =	sfence.sel $0x180000  }
0x76: {  	[bflag:$0x0] =	sbarrier.arrive $0xFFFF  }
0x77: {  	p0 =	sne.s32 s1, $0x0;
	_ =	strace $0x90000047  }
0x78: {  	s0 =	sadd.s32 @!p0 $0x100000, s0;
	[bflag:$0x2] =	sbarrier.arrive $0xFFFF  }
0x79: {  	[sflag:s0] =	ssyncadd.tile.s32 @!p0 $0x1;
	_ =	shalt  }
.Lfunc_end2:
_tile_overlayer_lowered:
.L_overlay_start_2:
0x7a: {  	(tag) =	ssettag $0x2  }
0x7b: {  	s0 =	rddreg [dreg:$0x0];
	s2 =	stileid.u32  }
0x7c: {  	s1 =	rddreg [dreg:$0x1];
	p0 =	sne.s32 s2, $0x0  }
0x7d: {  	s3 =	rddreg [dreg:$0x2];
	[bflag:$0x3] =	sbarrier.arrive $0xFFFF;
	s2 =	simm.s32 @!p0 $0x1C04  }
0x7e: {  	[timem:s3], [sflag:s2] =	dma.local @!p0 [hbm:s0], s1  }
0x7f: {  	s0 =	simm.s32 @!p0 $0x4  }
0x80: {  	_ =	swait.ge @!p0 [sflag:s0], s1  }
0x81: {  	s1 =	ssub.s32 @!p0 $0x0, s1;
	[sflag:s0] =	ssyncset.done @!p0 $0x0  }
0x82: {  	[sflag:s0] =	ssyncadd.s32 @!p0 s1  }
0x83: {  	[bflag:$0x3] =	sbarrier.arrive $0xFFFF  }
0x84: {  	_ =	shalt  }

</sc_bundles>
